<compile_context>
chip_gen: v7x
topology: tpu7x:2x2x1
jax: 0.10.2.dev20260603
libtpu: 0.0.44.dev20260713+nightly
codegen_flags: <defaults>
</compile_context>

<pallas_src>
import functools

import jax
import jax.numpy as jnp
from jax import lax
from jax.experimental import pallas as pl
from jax.experimental.pallas import tpu as pltpu
from jax.experimental.pallas import tpu_sc as plsc

N = 10000
E = 320000
D = 128

NC = 2
NS = 16
NW = NC * NS
CHUNK = 128
GRP = 8
CHUNKS = 80
GRPS = CHUNKS // GRP
EPAD = NW * CHUNKS * CHUNK
NPT = 632
NPAD = NS * NPT


def _segsum_body(with_hist, *refs):
    if with_hist:
        (table, srcg, dstg, zeros, zeros1,
         out, degout, acc, idx_s, idx_d, buf, hist) = refs
    else:
        (table, srcg, dstg, zeros,
         out, acc, idx_s, idx_d, buf) = refs

    c = lax.axis_index("c")
    s = lax.axis_index("s")
    w = c * NS + s

    rows = pl.ds(s * NPT, NPT)
    pltpu.sync_copy(zeros.at[rows], acc.at[rows])
    if with_hist:
        pltpu.sync_copy(zeros1, hist)
    plsc.subcore_barrier()

    ones = jnp.full((16,), 1.0, jnp.float32)

    def body(g, carry):
        pltpu.sync_copy(srcg.at[w, pl.ds(g * GRP, GRP)], idx_s)
        pltpu.sync_copy(dstg.at[w, pl.ds(g * GRP, GRP)], idx_d)

        def inner(j, carry2):
            pltpu.sync_copy(table.at[idx_s.at[j]], buf)
            pltpu.sync_copy(buf, acc.at[idx_d.at[j]], add=True)
            if with_hist:
                for k in range(CHUNK // 16):
                    v = idx_d[j, pl.ds(k * 16, 16)]
                    plsc.addupdate_scatter(hist, [v], ones)
            return carry2

        lax.fori_loop(0, GRP, inner, 0)
        return carry

    lax.fori_loop(0, GRPS, body, 0)
    plsc.subcore_barrier()

    pltpu.sync_copy(acc.at[rows], out.at[c, rows])
    if with_hist:
        pltpu.sync_copy(hist, degout.at[w])


def _make_segsum(with_hist):
    out_type = [jax.ShapeDtypeStruct((NC, NPAD, D), jnp.float32)]
    scratch = [
        pltpu.VMEM_SHARED((NPAD, D), jnp.float32),
        pltpu.VMEM((GRP, CHUNK), jnp.int32),
        pltpu.VMEM((GRP, CHUNK), jnp.int32),
        pltpu.VMEM((CHUNK, D), jnp.float32),
    ]
    if with_hist:
        out_type.append(jax.ShapeDtypeStruct((NW, NPAD), jnp.float32))
        scratch.append(pltpu.VMEM((NPAD,), jnp.float32))

    mesh = plsc.VectorSubcoreMesh(core_axis_name="c", subcore_axis_name="s")
    return pl.kernel(
        functools.partial(_segsum_body, with_hist),
        mesh=mesh,
        out_type=out_type,
        scratch_types=scratch,
        compiler_params=pltpu.CompilerParams(needs_layout_passes=False),
    )


def _dense_body(s0, s1, dh, x, wl, wr, bl, o):
    deg = jnp.sum(dh[...], axis=1)
    inv = 1.0 / jnp.maximum(deg, 1.0)
    mean = (s0[...] + s1[...]) * inv[:, None]
    h = lax.dot_general(mean, wl[...], (((1,), (1,)), ((), ())),
                        preferred_element_type=jnp.float32)
    h += lax.dot_general(x[...], wr[...], (((1,), (1,)), ((), ())),
                         preferred_element_type=jnp.float32)
    h += bl[...]
    o[...] = jnp.where(h > 0, h, 0.01 * h)


_BLK = 1000


def _dense(s0, s1, dh, x, wl, wr, bl):
    grid = N // _BLK
    row = pl.BlockSpec((_BLK, D), lambda i: (i, 0))
    deg = pl.BlockSpec((_BLK, NW), lambda i: (i, 0))
    w = pl.BlockSpec((D, D), lambda i: (0, 0))
    b = pl.BlockSpec((1, D), lambda i: (0, 0))
    return pl.pallas_call(
        _dense_body,
        grid=(grid,),
        in_specs=[row, row, deg, row, w, w, b],
        out_specs=row,
        out_shape=jax.ShapeDtypeStruct((N, D), jnp.float32),
    )(s0, s1, dh, x, wl, wr, bl.reshape(1, D))


def kernel(x, edge_index, Wl1, bl1, Wr1, Wl2, bl2, Wr2):
    ei = edge_index.astype(jnp.int32)
    pad = EPAD - E
    src = jnp.concatenate([ei[0], jnp.zeros((pad,), jnp.int32)])
    dst = jnp.concatenate([ei[1], jnp.full((pad,), N, jnp.int32)])
    srcg = src.reshape(NW, CHUNKS, CHUNK)
    dstg = dst.reshape(NW, CHUNKS, CHUNK)

    zeros = jnp.zeros((NPAD, D), jnp.float32)
    zeros1 = jnp.zeros((NPAD,), jnp.float32)

    parts, deghist = _make_segsum(True)(x, srcg, dstg, zeros, zeros1)
    dh = deghist[:, :N].T
    h = _dense(parts[0, :N], parts[1, :N], dh, x, Wl1, Wr1, bl1)

    parts2, = _make_segsum(False)(h, srcg, dstg, zeros)
    return _dense(parts2[0, :N], parts2[1, :N], dh, h, Wl2, Wr2, bl2)

# --- scband reference (transcript-rebuilt; emitter-appended) ---
"""Pipeline reference for scband-gnn-43430709297214 (READ-ONLY COPY).

The authoritative reference and input builder live on the scoring server;
editing this copy changes nothing except your own understanding.
"""

import jax, jax.numpy as jnp
import numpy as np

N_NODES = 10000
N_EDGES = 320000
D_IN = 128
D_HID = 128
D_OUT = 128


def setup_inputs(seed: int = 0) -> dict:
    key = jax.random.key(seed)
    k = jax.random.split(key, 8)
    x = jax.random.normal(k[0], (N_NODES, D_IN), dtype=jnp.float32)
    edge_index = jax.random.randint(k[1], (2, N_EDGES), 0, N_NODES, dtype=jnp.int64)
    # SAGEConv layer 1: lin_l (applied to aggregated neighbors, has bias), lin_r (root weight, no bias)
    Wl1 = jax.random.normal(k[2], (D_HID, D_IN), dtype=jnp.float32) * (1.0 / np.sqrt(D_IN))
    bl1 = jnp.zeros((D_HID,), dtype=jnp.float32)
    Wr1 = jax.random.normal(k[3], (D_HID, D_IN), dtype=jnp.float32) * (1.0 / np.sqrt(D_IN))
    # SAGEConv layer 2
    Wl2 = jax.random.normal(k[4], (D_OUT, D_HID), dtype=jnp.float32) * (1.0 / np.sqrt(D_HID))
    bl2 = jnp.zeros((D_OUT,), dtype=jnp.float32)
    Wr2 = jax.random.normal(k[5], (D_OUT, D_HID), dtype=jnp.float32) * (1.0 / np.sqrt(D_HID))
    return {"x": x, "edge_index": edge_index, "Wl1": Wl1, "bl1": bl1, "Wr1": Wr1,
            "Wl2": Wl2, "bl2": bl2, "Wr2": Wr2}


def _sage_conv(x, edge_index, Wl, bl, Wr):
    # PyG SAGEConv with mean aggregation:
    # out = lin_l(mean_{j in N(i)} x_j) + lin_r(x_i)
    src = edge_index[0]
    dst = edge_index[1]
    n = x.shape[0]
    msg = jnp.take(x, src, axis=0)                       # gather source node features
    summed = jax.ops.segment_sum(msg, dst, num_segments=n)
    ones = jnp.ones((src.shape[0],), dtype=x.dtype)
    deg = jax.ops.segment_sum(ones, dst, num_segments=n)
    mean = summed / jnp.maximum(deg, 1.0)[:, None]
    return mean @ Wl.T + bl + x @ Wr.T


def reference(x, edge_index, Wl1, bl1, Wr1, Wl2, bl2, Wr2):
    h = _sage_conv(x, edge_index, Wl1, bl1, Wr1)
    h = jax.nn.leaky_relu(h, negative_slope=0.01)
    # dropout(p=0.1, training=self.training) -> identity in eval mode
    h = _sage_conv(h, edge_index, Wl2, bl2, Wr2)
    return jax.nn.leaky_relu(h, negative_slope=0.01)

if __name__ == "__main__":
    import jax
    _d = setup_inputs()
    print(jax.jit(kernel)(*tuple(_d.values())))

</pallas_src>

<mosaic_0001>
#map = affine_map<(d0, d1) -> (0, 0)>
#map1 = affine_map<(d0, d1) -> (0, 0, 0)>
module attributes {stable_mosaic.version = 14 : i64} {
  func.func @_segsum_body(%arg0: i32, %arg1: i32, %arg2: memref<10000x128xf32, #tpu.memory_space<hbm>>, %arg3: memref<32x80x128xi32, #tpu.memory_space<hbm>>, %arg4: memref<32x80x128xi32, #tpu.memory_space<hbm>>, %arg5: memref<10112x128xf32, #tpu.memory_space<hbm>>, %arg6: memref<2x10112x128xf32, #tpu.memory_space<hbm>>, %arg7: memref<10112x128xf32, #tpu.memory_space<vmem_shared>>, %arg8: memref<8x128xi32, #tpu.memory_space<vmem>>, %arg9: memref<8x128xi32, #tpu.memory_space<vmem>>, %arg10: memref<128x128xf32, #tpu.memory_space<vmem>>) attributes {dimension_semantics = [#tpu.dimension_semantics<core_parallel>, #tpu.dimension_semantics<subcore_parallel>], iteration_bounds = array<i64: 2, 16>, scalar_prefetch = 0 : i64, scratch_operands = 4 : i64, tpu.core_type = #tpu.core_type<sc_vector_subcore>, window_params = [{transform_indices = #map}, {transform_indices = #map1}, {transform_indices = #map1}, {transform_indices = #map}, {transform_indices = #map1}]} {
    %mul3A = arith.constant 16 : i32
    %mul3A_0 = arith.muli %arg0, %mul3A : i32
    %add3A = arith.addi %mul3A_0, %arg1 : i32
    %mul3A_1 = arith.constant 632 : i32
    %mul3A_2 = arith.muli %arg1, %mul3A_1 : i32
    "tpu.region"() ({
      %run_scoped3A = tpu.sem_alloc : memref<!tpu.dma_semaphore, #tpu.memory_space<semaphore_mem>>
      %dma_start3A = arith.constant 0 : i32
      %dma_start3A_10 = tpu.memref_slice %arg7[%mul3A_2, %dma_start3A] : memref<10112x128xf32, #tpu.memory_space<vmem_shared>> -> memref<632x128xf32, #tpu.memory_space<vmem_shared>>
      %dma_start3A_11 = arith.constant 0 : i32
      %dma_start3A_12 = tpu.memref_slice %arg5[%mul3A_2, %dma_start3A_11] : memref<10112x128xf32, #tpu.memory_space<hbm>> -> memref<632x128xf32, #tpu.memory_space<hbm>>
      tpu.enqueue_dma source(%dma_start3A_12 : memref<632x128xf32, #tpu.memory_space<hbm>>) target(%dma_start3A_10 : memref<632x128xf32, #tpu.memory_space<vmem_shared>>) target_semaphore(%run_scoped3A : memref<!tpu.dma_semaphore, #tpu.memory_space<semaphore_mem>>)
      %dma_wait3A = arith.constant 0 : i32
      %dma_wait3A_13 = tpu.memref_slice %arg7[%mul3A_2, %dma_wait3A] : memref<10112x128xf32, #tpu.memory_space<vmem_shared>> -> memref<632x128xf32, #tpu.memory_space<vmem_shared>>
      %dma_wait3A_14 = arith.constant 0 : i32
      %dma_wait3A_15 = tpu.memref_slice %arg5[%mul3A_2, %dma_wait3A_14] : memref<10112x128xf32, #tpu.memory_space<hbm>> -> memref<632x128xf32, #tpu.memory_space<hbm>>
      tpu.wait_dma2 semaphore(%run_scoped3A : memref<!tpu.dma_semaphore, #tpu.memory_space<semaphore_mem>>) src(%dma_wait3A_15 : memref<632x128xf32, #tpu.memory_space<hbm>>) dst(%dma_wait3A_13 : memref<632x128xf32, #tpu.memory_space<vmem_shared>>)
      tpu.yield
    }) : () -> ()
    %barrier3A = arith.constant 0 : index
    tpu.barrier barrier_id(%barrier3A)
    %broadcast_in_dim3A = arith.constant 1.000000e+00 : f32
    %broadcast_in_dim3A_3 = vector.broadcast %broadcast_in_dim3A : f32 to vector<16xf32>
    %scan3A = arith.constant 0 : i32
    %scan3A_4 = arith.constant 0 : i32
    %scan3A_5 = arith.constant 10 : i32
    %scan3A_6 = arith.addi %scan3A_4, %scan3A_5 : i32
    %scan3A_7 = arith.constant 1 : i32
    scf.for %scan3A_10 = %scan3A_4 to %scan3A_6 step %scan3A_7  : i32 {
      %mul3A_11 = arith.constant 8 : i32
      %mul3A_12 = arith.muli %scan3A_10, %mul3A_11 : i32
      "tpu.region"() ({
        %run_scoped3A = tpu.sem_alloc : memref<!tpu.dma_semaphore, #tpu.memory_space<semaphore_mem>>
        %dma_start3A = arith.constant 0 : i32
        %dma_start3A_21 = tpu.memref_slice %arg3[%add3A, %mul3A_12, %dma_start3A] : memref<32x80x128xi32, #tpu.memory_space<hbm>> -> memref<1x8x128xi32, #tpu.memory_space<hbm>>
        %dma_start3A_22 = tpu.memref_squeeze %dma_start3A_21 : memref<1x8x128xi32, #tpu.memory_space<hbm>> -> memref<8x128xi32, #tpu.memory_space<hbm>>
        %dma_start3A_23 = arith.constant 0 : i32
        %dma_start3A_24 = tpu.memref_slice %arg3[%add3A, %mul3A_12, %dma_start3A_23] : memref<32x80x128xi32, #tpu.memory_space<hbm>> -> memref<1x8x128xi32, #tpu.memory_space<hbm>>
        %dma_start3A_25 = tpu.memref_squeeze %dma_start3A_24 : memref<1x8x128xi32, #tpu.memory_space<hbm>> -> memref<8x128xi32, #tpu.memory_space<hbm>>
        tpu.enqueue_dma source(%dma_start3A_25 : memref<8x128xi32, #tpu.memory_space<hbm>>) target(%arg8 : memref<8x128xi32, #tpu.memory_space<vmem>>) target_semaphore(%run_scoped3A : memref<!tpu.dma_semaphore, #tpu.memory_space<semaphore_mem>>)
        %dma_wait3A = arith.constant 0 : i32
        %dma_wait3A_26 = tpu.memref_slice %arg3[%add3A, %mul3A_12, %dma_wait3A] : memref<32x80x128xi32, #tpu.memory_space<hbm>> -> memref<1x8x128xi32, #tpu.memory_space<hbm>>
        %dma_wait3A_27 = tpu.memref_squeeze %dma_wait3A_26 : memref<1x8x128xi32, #tpu.memory_space<hbm>> -> memref<8x128xi32, #tpu.memory_space<hbm>>
        %dma_wait3A_28 = arith.constant 0 : i32
        %dma_wait3A_29 = tpu.memref_slice %arg3[%add3A, %mul3A_12, %dma_wait3A_28] : memref<32x80x128xi32, #tpu.memory_space<hbm>> -> memref<1x8x128xi32, #tpu.memory_space<hbm>>
        %dma_wait3A_30 = tpu.memref_squeeze %dma_wait3A_29 : memref<1x8x128xi32, #tpu.memory_space<hbm>> -> memref<8x128xi32, #tpu.memory_space<hbm>>
        tpu.wait_dma2 semaphore(%run_scoped3A : memref<!tpu.dma_semaphore, #tpu.memory_space<semaphore_mem>>) src(%dma_wait3A_30 : memref<8x128xi32, #tpu.memory_space<hbm>>) dst(%arg8 : memref<8x128xi32, #tpu.memory_space<vmem>>)
        tpu.yield
      }) : () -> ()
      %mul3A_13 = arith.constant 8 : i32
      %mul3A_14 = arith.muli %scan3A_10, %mul3A_13 : i32
      "tpu.region"() ({
        %run_scoped3A = tpu.sem_alloc : memref<!tpu.dma_semaphore, #tpu.memory_space<semaphore_mem>>
        %dma_start3A = arith.constant 0 : i32
        %dma_start3A_21 = tpu.memref_slice %arg4[%add3A, %mul3A_14, %dma_start3A] : memref<32x80x128xi32, #tpu.memory_space<hbm>> -> memref<1x8x128xi32, #tpu.memory_space<hbm>>
        %dma_start3A_22 = tpu.memref_squeeze %dma_start3A_21 : memref<1x8x128xi32, #tpu.memory_space<hbm>> -> memref<8x128xi32, #tpu.memory_space<hbm>>
        %dma_start3A_23 = arith.constant 0 : i32
        %dma_start3A_24 = tpu.memref_slice %arg4[%add3A, %mul3A_14, %dma_start3A_23] : memref<32x80x128xi32, #tpu.memory_space<hbm>> -> memref<1x8x128xi32, #tpu.memory_space<hbm>>
        %dma_start3A_25 = tpu.memref_squeeze %dma_start3A_24 : memref<1x8x128xi32, #tpu.memory_space<hbm>> -> memref<8x128xi32, #tpu.memory_space<hbm>>
        tpu.enqueue_dma source(%dma_start3A_25 : memref<8x128xi32, #tpu.memory_space<hbm>>) target(%arg9 : memref<8x128xi32, #tpu.memory_space<vmem>>) target_semaphore(%run_scoped3A : memref<!tpu.dma_semaphore, #tpu.memory_space<semaphore_mem>>)
        %dma_wait3A = arith.constant 0 : i32
        %dma_wait3A_26 = tpu.memref_slice %arg4[%add3A, %mul3A_14, %dma_wait3A] : memref<32x80x128xi32, #tpu.memory_space<hbm>> -> memref<1x8x128xi32, #tpu.memory_space<hbm>>
        %dma_wait3A_27 = tpu.memref_squeeze %dma_wait3A_26 : memref<1x8x128xi32, #tpu.memory_space<hbm>> -> memref<8x128xi32, #tpu.memory_space<hbm>>
        %dma_wait3A_28 = arith.constant 0 : i32
        %dma_wait3A_29 = tpu.memref_slice %arg4[%add3A, %mul3A_14, %dma_wait3A_28] : memref<32x80x128xi32, #tpu.memory_space<hbm>> -> memref<1x8x128xi32, #tpu.memory_space<hbm>>
        %dma_wait3A_30 = tpu.memref_squeeze %dma_wait3A_29 : memref<1x8x128xi32, #tpu.memory_space<hbm>> -> memref<8x128xi32, #tpu.memory_space<hbm>>
        tpu.wait_dma2 semaphore(%run_scoped3A : memref<!tpu.dma_semaphore, #tpu.memory_space<semaphore_mem>>) src(%dma_wait3A_30 : memref<8x128xi32, #tpu.memory_space<hbm>>) dst(%arg9 : memref<8x128xi32, #tpu.memory_space<vmem>>)
        tpu.yield
      }) : () -> ()
      %scan3A_15 = arith.constant 0 : i32
      %scan3A_16 = arith.constant 0 : i32
      %scan3A_17 = arith.constant 8 : i32
      %scan3A_18 = arith.addi %scan3A_16, %scan3A_17 : i32
      %scan3A_19 = arith.constant 1 : i32
      scf.for %scan3A_21 = %scan3A_16 to %scan3A_18 step %scan3A_19  : i32 {
        "tpu.region"() ({
          %run_scoped3A = tpu.sem_alloc : memref<!tpu.dma_semaphore, #tpu.memory_space<semaphore_mem>>
          %dma_start3A = arith.constant 0 : i32
          %dma_start3A_22 = tpu.memref_slice %arg8[%scan3A_21, %dma_start3A] : memref<8x128xi32, #tpu.memory_space<vmem>> -> memref<1x128xi32, #tpu.memory_space<vmem>>
          %dma_start3A_23 = tpu.memref_squeeze %dma_start3A_22 : memref<1x128xi32, #tpu.memory_space<vmem>> -> memref<128xi32, #tpu.memory_space<vmem>>
          %dma_start3A_24 = arith.constant 0 : i32
          %dma_start3A_25 = arith.constant 0 : i32
          %dma_start3A_26 = tpu.memref_slice %arg2[%dma_start3A_24, %dma_start3A_25] : memref<10000x128xf32, #tpu.memory_space<hbm>> -> memref<10000x128xf32, #tpu.memory_space<hbm>>
          tpu.enqueue_indirect_dma source(%dma_start3A_26 : memref<10000x128xf32, #tpu.memory_space<hbm>>) target(%arg10 : memref<128x128xf32, #tpu.memory_space<vmem>>) offsets(%dma_start3A_23 : memref<128xi32, #tpu.memory_space<vmem>>) semaphore(%run_scoped3A : memref<!tpu.dma_semaphore, #tpu.memory_space<semaphore_mem>>)
          %dma_wait3A = arith.constant 0 : i32
          %dma_wait3A_27 = tpu.memref_slice %arg8[%scan3A_21, %dma_wait3A] : memref<8x128xi32, #tpu.memory_space<vmem>> -> memref<1x128xi32, #tpu.memory_space<vmem>>
          %dma_wait3A_28 = tpu.memref_squeeze %dma_wait3A_27 : memref<1x128xi32, #tpu.memory_space<vmem>> -> memref<128xi32, #tpu.memory_space<vmem>>
          %dma_wait3A_29 = arith.constant 0 : i32
          %dma_wait3A_30 = arith.constant 0 : i32
          %dma_wait3A_31 = tpu.memref_slice %arg2[%dma_wait3A_29, %dma_wait3A_30] : memref<10000x128xf32, #tpu.memory_space<hbm>> -> memref<10000x128xf32, #tpu.memory_space<hbm>>
          tpu.wait_indirect_dma semaphore(%run_scoped3A : memref<!tpu.dma_semaphore, #tpu.memory_space<semaphore_mem>>) src(%dma_wait3A_31 : memref<10000x128xf32, #tpu.memory_space<hbm>>) dst(%arg10 : memref<128x128xf32, #tpu.memory_space<vmem>>)
          tpu.yield
        }) : () -> ()
        "tpu.region"() ({
          %run_scoped3A = tpu.sem_alloc : memref<!tpu.dma_semaphore, #tpu.memory_space<semaphore_mem>>
          %dma_start3A = arith.constant 0 : i32
          %dma_start3A_22 = tpu.memref_slice %arg9[%scan3A_21, %dma_start3A] : memref<8x128xi32, #tpu.memory_space<vmem>> -> memref<1x128xi32, #tpu.memory_space<vmem>>
          %dma_start3A_23 = tpu.memref_squeeze %dma_start3A_22 : memref<1x128xi32, #tpu.memory_space<vmem>> -> memref<128xi32, #tpu.memory_space<vmem>>
          %dma_start3A_24 = arith.constant 0 : i32
          %dma_start3A_25 = arith.constant 0 : i32
          %dma_start3A_26 = tpu.memref_slice %arg7[%dma_start3A_24, %dma_start3A_25] : memref<10112x128xf32, #tpu.memory_space<vmem_shared>> -> memref<10112x128xf32, #tpu.memory_space<vmem_shared>>
          tpu.enqueue_indirect_dma source(%arg10 : memref<128x128xf32, #tpu.memory_space<vmem>>) target(%dma_start3A_26 : memref<10112x128xf32, #tpu.memory_space<vmem_shared>>) offsets(%dma_start3A_23 : memref<128xi32, #tpu.memory_space<vmem>>) semaphore(%run_scoped3A : memref<!tpu.dma_semaphore, #tpu.memory_space<semaphore_mem>>) {add = true}
          %dma_wait3A = arith.constant 0 : i32
          %dma_wait3A_27 = tpu.memref_slice %arg9[%scan3A_21, %dma_wait3A] : memref<8x128xi32, #tpu.memory_space<vmem>> -> memref<1x128xi32, #tpu.memory_space<vmem>>
          %dma_wait3A_28 = tpu.memref_squeeze %dma_wait3A_27 : memref<1x128xi32, #tpu.memory_space<vmem>> -> memref<128xi32, #tpu.memory_space<vmem>>
          %dma_wait3A_29 = arith.constant 0 : i32
          %dma_wait3A_30 = arith.constant 0 : i32
          %dma_wait3A_31 = tpu.memref_slice %arg7[%dma_wait3A_29, %dma_wait3A_30] : memref<10112x128xf32, #tpu.memory_space<vmem_shared>> -> memref<10112x128xf32, #tpu.memory_space<vmem_shared>>
          tpu.wait_indirect_dma semaphore(%run_scoped3A : memref<!tpu.dma_semaphore, #tpu.memory_space<semaphore_mem>>) src(%arg10 : memref<128x128xf32, #tpu.memory_space<vmem>>) dst(%dma_wait3A_31 : memref<10112x128xf32, #tpu.memory_space<vmem_shared>>)
          tpu.yield
        }) : () -> ()
      }
      %scan3A_20 = arith.constant 8 : i32
    }
    %scan3A_8 = arith.constant 10 : i32
    %barrier3A_9 = arith.constant 0 : index
    tpu.barrier barrier_id(%barrier3A_9)
    "tpu.region"() ({
      %run_scoped3A = tpu.sem_alloc : memref<!tpu.dma_semaphore, #tpu.memory_space<semaphore_mem>>
      %dma_start3A = arith.constant 0 : i32
      %dma_start3A_10 = tpu.memref_slice %arg6[%arg0, %mul3A_2, %dma_start3A] : memref<2x10112x128xf32, #tpu.memory_space<hbm>> -> memref<1x632x128xf32, #tpu.memory_space<hbm>>
      %dma_start3A_11 = tpu.memref_squeeze %dma_start3A_10 : memref<1x632x128xf32, #tpu.memory_space<hbm>> -> memref<632x128xf32, #tpu.memory_space<hbm>>
      %dma_start3A_12 = arith.constant 0 : i32
      %dma_start3A_13 = tpu.memref_slice %arg7[%mul3A_2, %dma_start3A_12] : memref<10112x128xf32, #tpu.memory_space<vmem_shared>> -> memref<632x128xf32, #tpu.memory_space<vmem_shared>>
      tpu.enqueue_dma source(%dma_start3A_13 : memref<632x128xf32, #tpu.memory_space<vmem_shared>>) target(%dma_start3A_11 : memref<632x128xf32, #tpu.memory_space<hbm>>) target_semaphore(%run_scoped3A : memref<!tpu.dma_semaphore, #tpu.memory_space<semaphore_mem>>)
      %dma_wait3A = arith.constant 0 : i32
      %dma_wait3A_14 = tpu.memref_slice %arg6[%arg0, %mul3A_2, %dma_wait3A] : memref<2x10112x128xf32, #tpu.memory_space<hbm>> -> memref<1x632x128xf32, #tpu.memory_space<hbm>>
      %dma_wait3A_15 = tpu.memref_squeeze %dma_wait3A_14 : memref<1x632x128xf32, #tpu.memory_space<hbm>> -> memref<632x128xf32, #tpu.memory_space<hbm>>
      %dma_wait3A_16 = arith.constant 0 : i32
      %dma_wait3A_17 = tpu.memref_slice %arg7[%mul3A_2, %dma_wait3A_16] : memref<10112x128xf32, #tpu.memory_space<vmem_shared>> -> memref<632x128xf32, #tpu.memory_space<vmem_shared>>
      tpu.wait_dma2 semaphore(%run_scoped3A : memref<!tpu.dma_semaphore, #tpu.memory_space<semaphore_mem>>) src(%dma_wait3A_17 : memref<632x128xf32, #tpu.memory_space<vmem_shared>>) dst(%dma_wait3A_15 : memref<632x128xf32, #tpu.memory_space<hbm>>)
      tpu.yield
    }) : () -> ()
    return
  }
}

#map = affine_map<(d0, d1) -> (0, 0)>
#map1 = affine_map<(d0, d1) -> (0, 0, 0)>
#map2 = affine_map<(d0, d1) -> (0)>
module attributes {stable_mosaic.version = 14 : i64} {
  func.func @_segsum_body(%arg0: i32, %arg1: i32, %arg2: memref<10000x128xf32, #tpu.memory_space<hbm>>, %arg3: memref<32x80x128xi32, #tpu.memory_space<hbm>>, %arg4: memref<32x80x128xi32, #tpu.memory_space<hbm>>, %arg5: memref<10112x128xf32, #tpu.memory_space<hbm>>, %arg6: memref<10112xf32, #tpu.memory_space<hbm>>, %arg7: memref<2x10112x128xf32, #tpu.memory_space<hbm>>, %arg8: memref<32x10112xf32, #tpu.memory_space<hbm>>, %arg9: memref<10112x128xf32, #tpu.memory_space<vmem_shared>>, %arg10: memref<8x128xi32, #tpu.memory_space<vmem>>, %arg11: memref<8x128xi32, #tpu.memory_space<vmem>>, %arg12: memref<128x128xf32, #tpu.memory_space<vmem>>, %arg13: memref<10112xf32, #tpu.memory_space<vmem>>) attributes {dimension_semantics = [#tpu.dimension_semantics<core_parallel>, #tpu.dimension_semantics<subcore_parallel>], iteration_bounds = array<i64: 2, 16>, scalar_prefetch = 0 : i64, scratch_operands = 5 : i64, tpu.core_type = #tpu.core_type<sc_vector_subcore>, window_params = [{transform_indices = #map}, {transform_indices = #map1}, {transform_indices = #map1}, {transform_indices = #map}, {transform_indices = #map2}, {transform_indices = #map1}, {transform_indices = #map}]} {
    %mul3A = arith.constant 16 : i32
    %mul3A_0 = arith.muli %arg0, %mul3A : i32
    %add3A = arith.addi %mul3A_0, %arg1 : i32
    %mul3A_1 = arith.constant 632 : i32
    %mul3A_2 = arith.muli %arg1, %mul3A_1 : i32
    "tpu.region"() ({
      %run_scoped3A = tpu.sem_alloc : memref<!tpu.dma_semaphore, #tpu.memory_space<semaphore_mem>>
      %dma_start3A = arith.constant 0 : i32
      %dma_start3A_10 = tpu.memref_slice %arg9[%mul3A_2, %dma_start3A] : memref<10112x128xf32, #tpu.memory_space<vmem_shared>> -> memref<632x128xf32, #tpu.memory_space<vmem_shared>>
      %dma_start3A_11 = arith.constant 0 : i32
      %dma_start3A_12 = tpu.memref_slice %arg5[%mul3A_2, %dma_start3A_11] : memref<10112x128xf32, #tpu.memory_space<hbm>> -> memref<632x128xf32, #tpu.memory_space<hbm>>
      tpu.enqueue_dma source(%dma_start3A_12 : memref<632x128xf32, #tpu.memory_space<hbm>>) target(%dma_start3A_10 : memref<632x128xf32, #tpu.memory_space<vmem_shared>>) target_semaphore(%run_scoped3A : memref<!tpu.dma_semaphore, #tpu.memory_space<semaphore_mem>>)
      %dma_wait3A = arith.constant 0 : i32
      %dma_wait3A_13 = tpu.memref_slice %arg9[%mul3A_2, %dma_wait3A] : memref<10112x128xf32, #tpu.memory_space<vmem_shared>> -> memref<632x128xf32, #tpu.memory_space<vmem_shared>>
      %dma_wait3A_14 = arith.constant 0 : i32
      %dma_wait3A_15 = tpu.memref_slice %arg5[%mul3A_2, %dma_wait3A_14] : memref<10112x128xf32, #tpu.memory_space<hbm>> -> memref<632x128xf32, #tpu.memory_space<hbm>>
      tpu.wait_dma2 semaphore(%run_scoped3A : memref<!tpu.dma_semaphore, #tpu.memory_space<semaphore_mem>>) src(%dma_wait3A_15 : memref<632x128xf32, #tpu.memory_space<hbm>>) dst(%dma_wait3A_13 : memref<632x128xf32, #tpu.memory_space<vmem_shared>>)
      tpu.yield
    }) : () -> ()
    "tpu.region"() ({
      %run_scoped3A = tpu.sem_alloc : memref<!tpu.dma_semaphore, #tpu.memory_space<semaphore_mem>>
      tpu.enqueue_dma source(%arg6 : memref<10112xf32, #tpu.memory_space<hbm>>) target(%arg13 : memref<10112xf32, #tpu.memory_space<vmem>>) target_semaphore(%run_scoped3A : memref<!tpu.dma_semaphore, #tpu.memory_space<semaphore_mem>>)
      tpu.wait_dma2 semaphore(%run_scoped3A : memref<!tpu.dma_semaphore, #tpu.memory_space<semaphore_mem>>) src(%arg6 : memref<10112xf32, #tpu.memory_space<hbm>>) dst(%arg13 : memref<10112xf32, #tpu.memory_space<vmem>>)
      tpu.yield
    }) : () -> ()
    %barrier3A = arith.constant 0 : index
    tpu.barrier barrier_id(%barrier3A)
    %broadcast_in_dim3A = arith.constant 1.000000e+00 : f32
    %broadcast_in_dim3A_3 = vector.broadcast %broadcast_in_dim3A : f32 to vector<16xf32>
    %scan3A = arith.constant 0 : i32
    %scan3A_4 = arith.constant 0 : i32
    %scan3A_5 = arith.constant 10 : i32
    %scan3A_6 = arith.addi %scan3A_4, %scan3A_5 : i32
    %scan3A_7 = arith.constant 1 : i32
    scf.for %scan3A_10 = %scan3A_4 to %scan3A_6 step %scan3A_7  : i32 {
      %mul3A_11 = arith.constant 8 : i32
      %mul3A_12 = arith.muli %scan3A_10, %mul3A_11 : i32
      "tpu.region"() ({
        %run_scoped3A = tpu.sem_alloc : memref<!tpu.dma_semaphore, #tpu.memory_space<semaphore_mem>>
        %dma_start3A = arith.constant 0 : i32
        %dma_start3A_21 = tpu.memref_slice %arg3[%add3A, %mul3A_12, %dma_start3A] : memref<32x80x128xi32, #tpu.memory_space<hbm>> -> memref<1x8x128xi32, #tpu.memory_space<hbm>>
        %dma_start3A_22 = tpu.memref_squeeze %dma_start3A_21 : memref<1x8x128xi32, #tpu.memory_space<hbm>> -> memref<8x128xi32, #tpu.memory_space<hbm>>
        %dma_start3A_23 = arith.constant 0 : i32
        %dma_start3A_24 = tpu.memref_slice %arg3[%add3A, %mul3A_12, %dma_start3A_23] : memref<32x80x128xi32, #tpu.memory_space<hbm>> -> memref<1x8x128xi32, #tpu.memory_space<hbm>>
        %dma_start3A_25 = tpu.memref_squeeze %dma_start3A_24 : memref<1x8x128xi32, #tpu.memory_space<hbm>> -> memref<8x128xi32, #tpu.memory_space<hbm>>
        tpu.enqueue_dma source(%dma_start3A_25 : memref<8x128xi32, #tpu.memory_space<hbm>>) target(%arg10 : memref<8x128xi32, #tpu.memory_space<vmem>>) target_semaphore(%run_scoped3A : memref<!tpu.dma_semaphore, #tpu.memory_space<semaphore_mem>>)
        %dma_wait3A = arith.constant 0 : i32
        %dma_wait3A_26 = tpu.memref_slice %arg3[%add3A, %mul3A_12, %dma_wait3A] : memref<32x80x128xi32, #tpu.memory_space<hbm>> -> memref<1x8x128xi32, #tpu.memory_space<hbm>>
        %dma_wait3A_27 = tpu.memref_squeeze %dma_wait3A_26 : memref<1x8x128xi32, #tpu.memory_space<hbm>> -> memref<8x128xi32, #tpu.memory_space<hbm>>
        %dma_wait3A_28 = arith.constant 0 : i32
        %dma_wait3A_29 = tpu.memref_slice %arg3[%add3A, %mul3A_12, %dma_wait3A_28] : memref<32x80x128xi32, #tpu.memory_space<hbm>> -> memref<1x8x128xi32, #tpu.memory_space<hbm>>
        %dma_wait3A_30 = tpu.memref_squeeze %dma_wait3A_29 : memref<1x8x128xi32, #tpu.memory_space<hbm>> -> memref<8x128xi32, #tpu.memory_space<hbm>>
        tpu.wait_dma2 semaphore(%run_scoped3A : memref<!tpu.dma_semaphore, #tpu.memory_space<semaphore_mem>>) src(%dma_wait3A_30 : memref<8x128xi32, #tpu.memory_space<hbm>>) dst(%arg10 : memref<8x128xi32, #tpu.memory_space<vmem>>)
        tpu.yield
      }) : () -> ()
      %mul3A_13 = arith.constant 8 : i32
      %mul3A_14 = arith.muli %scan3A_10, %mul3A_13 : i32
      "tpu.region"() ({
        %run_scoped3A = tpu.sem_alloc : memref<!tpu.dma_semaphore, #tpu.memory_space<semaphore_mem>>
        %dma_start3A = arith.constant 0 : i32
        %dma_start3A_21 = tpu.memref_slice %arg4[%add3A, %mul3A_14, %dma_start3A] : memref<32x80x128xi32, #tpu.memory_space<hbm>> -> memref<1x8x128xi32, #tpu.memory_space<hbm>>
        %dma_start3A_22 = tpu.memref_squeeze %dma_start3A_21 : memref<1x8x128xi32, #tpu.memory_space<hbm>> -> memref<8x128xi32, #tpu.memory_space<hbm>>
        %dma_start3A_23 = arith.constant 0 : i32
        %dma_start3A_24 = tpu.memref_slice %arg4[%add3A, %mul3A_14, %dma_start3A_23] : memref<32x80x128xi32, #tpu.memory_space<hbm>> -> memref<1x8x128xi32, #tpu.memory_space<hbm>>
        %dma_start3A_25 = tpu.memref_squeeze %dma_start3A_24 : memref<1x8x128xi32, #tpu.memory_space<hbm>> -> memref<8x128xi32, #tpu.memory_space<hbm>>
        tpu.enqueue_dma source(%dma_start3A_25 : memref<8x128xi32, #tpu.memory_space<hbm>>) target(%arg11 : memref<8x128xi32, #tpu.memory_space<vmem>>) target_semaphore(%run_scoped3A : memref<!tpu.dma_semaphore, #tpu.memory_space<semaphore_mem>>)
        %dma_wait3A = arith.constant 0 : i32
        %dma_wait3A_26 = tpu.memref_slice %arg4[%add3A, %mul3A_14, %dma_wait3A] : memref<32x80x128xi32, #tpu.memory_space<hbm>> -> memref<1x8x128xi32, #tpu.memory_space<hbm>>
        %dma_wait3A_27 = tpu.memref_squeeze %dma_wait3A_26 : memref<1x8x128xi32, #tpu.memory_space<hbm>> -> memref<8x128xi32, #tpu.memory_space<hbm>>
        %dma_wait3A_28 = arith.constant 0 : i32
        %dma_wait3A_29 = tpu.memref_slice %arg4[%add3A, %mul3A_14, %dma_wait3A_28] : memref<32x80x128xi32, #tpu.memory_space<hbm>> -> memref<1x8x128xi32, #tpu.memory_space<hbm>>
        %dma_wait3A_30 = tpu.memref_squeeze %dma_wait3A_29 : memref<1x8x128xi32, #tpu.memory_space<hbm>> -> memref<8x128xi32, #tpu.memory_space<hbm>>
        tpu.wait_dma2 semaphore(%run_scoped3A : memref<!tpu.dma_semaphore, #tpu.memory_space<semaphore_mem>>) src(%dma_wait3A_30 : memref<8x128xi32, #tpu.memory_space<hbm>>) dst(%arg11 : memref<8x128xi32, #tpu.memory_space<vmem>>)
        tpu.yield
      }) : () -> ()
      %scan3A_15 = arith.constant 0 : i32
      %scan3A_16 = arith.constant 0 : i32
      %scan3A_17 = arith.constant 8 : i32
      %scan3A_18 = arith.addi %scan3A_16, %scan3A_17 : i32
      %scan3A_19 = arith.constant 1 : i32
      scf.for %scan3A_21 = %scan3A_16 to %scan3A_18 step %scan3A_19  : i32 {
        "tpu.region"() ({
          %run_scoped3A = tpu.sem_alloc : memref<!tpu.dma_semaphore, #tpu.memory_space<semaphore_mem>>
          %dma_start3A = arith.constant 0 : i32
          %dma_start3A_45 = tpu.memref_slice %arg10[%scan3A_21, %dma_start3A] : memref<8x128xi32, #tpu.memory_space<vmem>> -> memref<1x128xi32, #tpu.memory_space<vmem>>
          %dma_start3A_46 = tpu.memref_squeeze %dma_start3A_45 : memref<1x128xi32, #tpu.memory_space<vmem>> -> memref<128xi32, #tpu.memory_space<vmem>>
          %dma_start3A_47 = arith.constant 0 : i32
          %dma_start3A_48 = arith.constant 0 : i32
          %dma_start3A_49 = tpu.memref_slice %arg2[%dma_start3A_47, %dma_start3A_48] : memref<10000x128xf32, #tpu.memory_space<hbm>> -> memref<10000x128xf32, #tpu.memory_space<hbm>>
          tpu.enqueue_indirect_dma source(%dma_start3A_49 : memref<10000x128xf32, #tpu.memory_space<hbm>>) target(%arg12 : memref<128x128xf32, #tpu.memory_space<vmem>>) offsets(%dma_start3A_46 : memref<128xi32, #tpu.memory_space<vmem>>) semaphore(%run_scoped3A : memref<!tpu.dma_semaphore, #tpu.memory_space<semaphore_mem>>)
          %dma_wait3A = arith.constant 0 : i32
          %dma_wait3A_50 = tpu.memref_slice %arg10[%scan3A_21, %dma_wait3A] : memref<8x128xi32, #tpu.memory_space<vmem>> -> memref<1x128xi32, #tpu.memory_space<vmem>>
          %dma_wait3A_51 = tpu.memref_squeeze %dma_wait3A_50 : memref<1x128xi32, #tpu.memory_space<vmem>> -> memref<128xi32, #tpu.memory_space<vmem>>
          %dma_wait3A_52 = arith.constant 0 : i32
          %dma_wait3A_53 = arith.constant 0 : i32
          %dma_wait3A_54 = tpu.memref_slice %arg2[%dma_wait3A_52, %dma_wait3A_53] : memref<10000x128xf32, #tpu.memory_space<hbm>> -> memref<10000x128xf32, #tpu.memory_space<hbm>>
          tpu.wait_indirect_dma semaphore(%run_scoped3A : memref<!tpu.dma_semaphore, #tpu.memory_space<semaphore_mem>>) src(%dma_wait3A_54 : memref<10000x128xf32, #tpu.memory_space<hbm>>) dst(%arg12 : memref<128x128xf32, #tpu.memory_space<vmem>>)
          tpu.yield
        }) : () -> ()
        "tpu.region"() ({
          %run_scoped3A = tpu.sem_alloc : memref<!tpu.dma_semaphore, #tpu.memory_space<semaphore_mem>>
          %dma_start3A = arith.constant 0 : i32
          %dma_start3A_45 = tpu.memref_slice %arg11[%scan3A_21, %dma_start3A] : memref<8x128xi32, #tpu.memory_space<vmem>> -> memref<1x128xi32, #tpu.memory_space<vmem>>
          %dma_start3A_46 = tpu.memref_squeeze %dma_start3A_45 : memref<1x128xi32, #tpu.memory_space<vmem>> -> memref<128xi32, #tpu.memory_space<vmem>>
          %dma_start3A_47 = arith.constant 0 : i32
          %dma_start3A_48 = arith.constant 0 : i32
          %dma_start3A_49 = tpu.memref_slice %arg9[%dma_start3A_47, %dma_start3A_48] : memref<10112x128xf32, #tpu.memory_space<vmem_shared>> -> memref<10112x128xf32, #tpu.memory_space<vmem_shared>>
          tpu.enqueue_indirect_dma source(%arg12 : memref<128x128xf32, #tpu.memory_space<vmem>>) target(%dma_start3A_49 : memref<10112x128xf32, #tpu.memory_space<vmem_shared>>) offsets(%dma_start3A_46 : memref<128xi32, #tpu.memory_space<vmem>>) semaphore(%run_scoped3A : memref<!tpu.dma_semaphore, #tpu.memory_space<semaphore_mem>>) {add = true}
          %dma_wait3A = arith.constant 0 : i32
          %dma_wait3A_50 = tpu.memref_slice %arg11[%scan3A_21, %dma_wait3A] : memref<8x128xi32, #tpu.memory_space<vmem>> -> memref<1x128xi32, #tpu.memory_space<vmem>>
          %dma_wait3A_51 = tpu.memref_squeeze %dma_wait3A_50 : memref<1x128xi32, #tpu.memory_space<vmem>> -> memref<128xi32, #tpu.memory_space<vmem>>
          %dma_wait3A_52 = arith.constant 0 : i32
          %dma_wait3A_53 = arith.constant 0 : i32
          %dma_wait3A_54 = tpu.memref_slice %arg9[%dma_wait3A_52, %dma_wait3A_53] : memref<10112x128xf32, #tpu.memory_space<vmem_shared>> -> memref<10112x128xf32, #tpu.memory_space<vmem_shared>>
          tpu.wait_indirect_dma semaphore(%run_scoped3A : memref<!tpu.dma_semaphore, #tpu.memory_space<semaphore_mem>>) src(%arg12 : memref<128x128xf32, #tpu.memory_space<vmem>>) dst(%dma_wait3A_54 : memref<10112x128xf32, #tpu.memory_space<vmem_shared>>)
          tpu.yield
        }) : () -> ()
        %get3A = arith.index_cast %scan3A_21 : i32 to index
        %get3A_22 = arith.constant 0 : index
        %get3A_23 = tpu.vector_load %arg11[%get3A, %get3A_22] {strides = array<i32>} : memref<8x128xi32, #tpu.memory_space<vmem>>, vector<16xi32>,
        tpu.vector_store_idx %arg13[%get3A_23], %broadcast_in_dim3A_3 {add = true} : memref<10112xf32, #tpu.memory_space<vmem>>[vector<16xi32>], vector<16xf32>,
        %get3A_24 = arith.index_cast %scan3A_21 : i32 to index
        %get3A_25 = arith.constant 16 : index
        %get3A_26 = tpu.vector_load %arg11[%get3A_24, %get3A_25] {strides = array<i32>} : memref<8x128xi32, #tpu.memory_space<vmem>>, vector<16xi32>,
        tpu.vector_store_idx %arg13[%get3A_26], %broadcast_in_dim3A_3 {add = true} : memref<10112xf32, #tpu.memory_space<vmem>>[vector<16xi32>], vector<16xf32>,
        %get3A_27 = arith.index_cast %scan3A_21 : i32 to index
        %get3A_28 = arith.constant 32 : index
        %get3A_29 = tpu.vector_load %arg11[%get3A_27, %get3A_28] {strides = array<i32>} : memref<8x128xi32, #tpu.memory_space<vmem>>, vector<16xi32>,
        tpu.vector_store_idx %arg13[%get3A_29], %broadcast_in_dim3A_3 {add = true} : memref<10112xf32, #tpu.memory_space<vmem>>[vector<16xi32>], vector<16xf32>,
        %get3A_30 = arith.index_cast %scan3A_21 : i32 to index
        %get3A_31 = arith.constant 48 : index
        %get3A_32 = tpu.vector_load %arg11[%get3A_30, %get3A_31] {strides = array<i32>} : memref<8x128xi32, #tpu.memory_space<vmem>>, vector<16xi32>,
        tpu.vector_store_idx %arg13[%get3A_32], %broadcast_in_dim3A_3 {add = true} : memref<10112xf32, #tpu.memory_space<vmem>>[vector<16xi32>], vector<16xf32>,
        %get3A_33 = arith.index_cast %scan3A_21 : i32 to index
        %get3A_34 = arith.constant 64 : index
        %get3A_35 = tpu.vector_load %arg11[%get3A_33, %get3A_34] {strides = array<i32>} : memref<8x128xi32, #tpu.memory_space<vmem>>, vector<16xi32>,
        tpu.vector_store_idx %arg13[%get3A_35], %broadcast_in_dim3A_3 {add = true} : memref<10112xf32, #tpu.memory_space<vmem>>[vector<16xi32>], vector<16xf32>,
        %get3A_36 = arith.index_cast %scan3A_21 : i32 to index
        %get3A_37 = arith.constant 80 : index
        %get3A_38 = tpu.vector_load %arg11[%get3A_36, %get3A_37] {strides = array<i32>} : memref<8x128xi32, #tpu.memory_space<vmem>>, vector<16xi32>,
        tpu.vector_store_idx %arg13[%get3A_38], %broadcast_in_dim3A_3 {add = true} : memref<10112xf32, #tpu.memory_space<vmem>>[vector<16xi32>], vector<16xf32>,
        %get3A_39 = arith.index_cast %scan3A_21 : i32 to index
        %get3A_40 = arith.constant 96 : index
        %get3A_41 = tpu.vector_load %arg11[%get3A_39, %get3A_40] {strides = array<i32>} : memref<8x128xi32, #tpu.memory_space<vmem>>, vector<16xi32>,
        tpu.vector_store_idx %arg13[%get3A_41], %broadcast_in_dim3A_3 {add = true} : memref<10112xf32, #tpu.memory_space<vmem>>[vector<16xi32>], vector<16xf32>,
        %get3A_42 = arith.index_cast %scan3A_21 : i32 to index
        %get3A_43 = arith.constant 112 : index
        %get3A_44 = tpu.vector_load %arg11[%get3A_42, %get3A_43] {strides = array<i32>} : memref<8x128xi32, #tpu.memory_space<vmem>>, vector<16xi32>,
        tpu.vector_store_idx %arg13[%get3A_44], %broadcast_in_dim3A_3 {add = true} : memref<10112xf32, #tpu.memory_space<vmem>>[vector<16xi32>], vector<16xf32>,
      }
      %scan3A_20 = arith.constant 8 : i32
    }
    %scan3A_8 = arith.constant 10 : i32
    %barrier3A_9 = arith.constant 0 : index
    tpu.barrier barrier_id(%barrier3A_9)
    "tpu.region"() ({
      %run_scoped3A = tpu.sem_alloc : memref<!tpu.dma_semaphore, #tpu.memory_space<semaphore_mem>>
      %dma_start3A = arith.constant 0 : i32
      %dma_start3A_10 = tpu.memref_slice %arg7[%arg0, %mul3A_2, %dma_start3A] : memref<2x10112x128xf32, #tpu.memory_space<hbm>> -> memref<1x632x128xf32, #tpu.memory_space<hbm>>
      %dma_start3A_11 = tpu.memref_squeeze %dma_start3A_10 : memref<1x632x128xf32, #tpu.memory_space<hbm>> -> memref<632x128xf32, #tpu.memory_space<hbm>>
      %dma_start3A_12 = arith.constant 0 : i32
      %dma_start3A_13 = tpu.memref_slice %arg9[%mul3A_2, %dma_start3A_12] : memref<10112x128xf32, #tpu.memory_space<vmem_shared>> -> memref<632x128xf32, #tpu.memory_space<vmem_shared>>
      tpu.enqueue_dma source(%dma_start3A_13 : memref<632x128xf32, #tpu.memory_space<vmem_shared>>) target(%dma_start3A_11 : memref<632x128xf32, #tpu.memory_space<hbm>>) target_semaphore(%run_scoped3A : memref<!tpu.dma_semaphore, #tpu.memory_space<semaphore_mem>>)
      %dma_wait3A = arith.constant 0 : i32
      %dma_wait3A_14 = tpu.memref_slice %arg7[%arg0, %mul3A_2, %dma_wait3A] : memref<2x10112x128xf32, #tpu.memory_space<hbm>> -> memref<1x632x128xf32, #tpu.memory_space<hbm>>
      %dma_wait3A_15 = tpu.memref_squeeze %dma_wait3A_14 : memref<1x632x128xf32, #tpu.memory_space<hbm>> -> memref<632x128xf32, #tpu.memory_space<hbm>>
      %dma_wait3A_16 = arith.constant 0 : i32
      %dma_wait3A_17 = tpu.memref_slice %arg9[%mul3A_2, %dma_wait3A_16] : memref<10112x128xf32, #tpu.memory_space<vmem_shared>> -> memref<632x128xf32, #tpu.memory_space<vmem_shared>>
      tpu.wait_dma2 semaphore(%run_scoped3A : memref<!tpu.dma_semaphore, #tpu.memory_space<semaphore_mem>>) src(%dma_wait3A_17 : memref<632x128xf32, #tpu.memory_space<vmem_shared>>) dst(%dma_wait3A_15 : memref<632x128xf32, #tpu.memory_space<hbm>>)
      tpu.yield
    }) : () -> ()
    "tpu.region"() ({
      %run_scoped3A = tpu.sem_alloc : memref<!tpu.dma_semaphore, #tpu.memory_space<semaphore_mem>>
      %dma_start3A = arith.constant 0 : i32
      %dma_start3A_10 = tpu.memref_slice %arg8[%add3A, %dma_start3A] : memref<32x10112xf32, #tpu.memory_space<hbm>> -> memref<1x10112xf32, #tpu.memory_space<hbm>>
      %dma_start3A_11 = tpu.memref_squeeze %dma_start3A_10 : memref<1x10112xf32, #tpu.memory_space<hbm>> -> memref<10112xf32, #tpu.memory_space<hbm>>
      %dma_start3A_12 = arith.constant 0 : i32
      %dma_start3A_13 = tpu.memref_slice %arg8[%add3A, %dma_start3A_12] : memref<32x10112xf32, #tpu.memory_space<hbm>> -> memref<1x10112xf32, #tpu.memory_space<hbm>>
      %dma_start3A_14 = tpu.memref_squeeze %dma_start3A_13 : memref<1x10112xf32, #tpu.memory_space<hbm>> -> memref<10112xf32, #tpu.memory_space<hbm>>
      tpu.enqueue_dma source(%arg13 : memref<10112xf32, #tpu.memory_space<vmem>>) target(%dma_start3A_14 : memref<10112xf32, #tpu.memory_space<hbm>>) target_semaphore(%run_scoped3A : memref<!tpu.dma_semaphore, #tpu.memory_space<semaphore_mem>>)
      %dma_wait3A = arith.constant 0 : i32
      %dma_wait3A_15 = tpu.memref_slice %arg8[%add3A, %dma_wait3A] : memref<32x10112xf32, #tpu.memory_space<hbm>> -> memref<1x10112xf32, #tpu.memory_space<hbm>>
      %dma_wait3A_16 = tpu.memref_squeeze %dma_wait3A_15 : memref<1x10112xf32, #tpu.memory_space<hbm>> -> memref<10112xf32, #tpu.memory_space<hbm>>
      %dma_wait3A_17 = arith.constant 0 : i32
      %dma_wait3A_18 = tpu.memref_slice %arg8[%add3A, %dma_wait3A_17] : memref<32x10112xf32, #tpu.memory_space<hbm>> -> memref<1x10112xf32, #tpu.memory_space<hbm>>
      %dma_wait3A_19 = tpu.memref_squeeze %dma_wait3A_18 : memref<1x10112xf32, #tpu.memory_space<hbm>> -> memref<10112xf32, #tpu.memory_space<hbm>>
      tpu.wait_dma2 semaphore(%run_scoped3A : memref<!tpu.dma_semaphore, #tpu.memory_space<semaphore_mem>>) src(%arg13 : memref<10112xf32, #tpu.memory_space<vmem>>) dst(%dma_wait3A_19 : memref<10112xf32, #tpu.memory_space<hbm>>)
      tpu.yield
    }) : () -> ()
    return
  }
}

module attributes {stable_mosaic.version = 14 : i64} {
  func.func @_dense_body(%arg0: i32, %arg1: memref<1000x128xf32, #tpu.memory_space<vmem>>, %arg2: memref<1000x128xf32, #tpu.memory_space<vmem>>, %arg3: memref<1000x32xf32, #tpu.memory_space<vmem>>, %arg4: memref<1000x128xf32, #tpu.memory_space<vmem>>, %arg5: memref<128x128xf32, #tpu.memory_space<vmem>>, %arg6: memref<128x128xf32, #tpu.memory_space<vmem>>, %arg7: memref<1x128xf32, #tpu.memory_space<vmem>>, %arg8: memref<1000x128xf32, #tpu.memory_space<vmem>>) attributes {dimension_semantics = [#tpu.dimension_semantics<arbitrary>], iteration_bounds = array<i64: 10>, scalar_prefetch = 0 : i64, scratch_operands = 0 : i64, tpu.core_type = #tpu.core_type<tc>, window_params = [{transform_indices = @transform_0, window_bounds = array<i64: 1000, 128>}, {transform_indices = @transform_1, window_bounds = array<i64: 1000, 128>}, {transform_indices = @transform_2, window_bounds = array<i64: 1000, 32>}, {transform_indices = @transform_3, window_bounds = array<i64: 1000, 128>}, {pipeline_mode = #tpu.pipeline_mode<synchronous>, transform_indices = @transform_4, window_bounds = array<i64: 128, 128>}, {pipeline_mode = #tpu.pipeline_mode<synchronous>, transform_indices = @transform_5, window_bounds = array<i64: 128, 128>}, {pipeline_mode = #tpu.pipeline_mode<synchronous>, transform_indices = @transform_6, window_bounds = array<i64: 1, 128>}, {transform_indices = @transform_7, window_bounds = array<i64: 1000, 128>}]} {
    %get3A = arith.constant 0 : index
    %get3A_0 = arith.constant 0 : index
    %get3A_1 = vector.load %arg3[%get3A, %get3A_0] : memref<1000x32xf32, #tpu.memory_space<vmem>>, vector<1000x32xf32>
    %reduce_sum3A = arith.constant dense<0.000000e+00> : vector<1000xf32>
    %reduce_sum3A_2 = vector.multi_reduction <add>, %get3A_1, %reduce_sum3A [1] : vector<1000x32xf32> to vector<1000xf32>
    %max3A = arith.constant 1.000000e+00 : f32
    %max3A_3 = vector.broadcast %max3A : f32 to vector<1000xf32>
    %max3A_4 = arith.maximumf %reduce_sum3A_2, %max3A_3 : vector<1000xf32>
    %div3A = arith.constant 1.000000e+00 : f32
    %div3A_5 = vector.broadcast %div3A : f32 to vector<1000xf32>
    %div3A_6 = arith.divf %div3A_5, %max3A_4 : vector<1000xf32>
    %get3A_7 = arith.constant 0 : index
    %get3A_8 = arith.constant 0 : index
    %get3A_9 = vector.load %arg1[%get3A_7, %get3A_8] : memref<1000x128xf32, #tpu.memory_space<vmem>>, vector<1000x128xf32>
    %get3A_10 = arith.constant 0 : index
    %get3A_11 = arith.constant 0 : index
    %get3A_12 = vector.load %arg2[%get3A_10, %get3A_11] : memref<1000x128xf32, #tpu.memory_space<vmem>>, vector<1000x128xf32>
    %add3A = arith.addf %get3A_9, %get3A_12 : vector<1000x128xf32>
    %broadcast_in_dim3A = vector.shape_cast %div3A_6 : vector<1000xf32> to vector<1000x1xf32>
    %mul3A = vector.broadcast %broadcast_in_dim3A : vector<1000x1xf32> to vector<1000x128xf32>
    %mul3A_13 = arith.mulf %add3A, %mul3A : vector<1000x128xf32>
    %get3A_14 = arith.constant 0 : index
    %get3A_15 = arith.constant 0 : index
    %get3A_16 = vector.load %arg5[%get3A_14, %get3A_15] : memref<128x128xf32, #tpu.memory_space<vmem>>, vector<128x128xf32>
    %dot_general3A = arith.constant dense<0.000000e+00> : vector<1000x128xf32>
    %dot_general3A_17 = tpu.matmul %mul3A_13, %get3A_16, %dot_general3A {dimension_numbers = #tpu.dot_dimension_numbers<[1], [1], [0], [0], [0, 0, 1, 0], [], []>, transpose_lhs_hint = false} : vector<1000x128xf32>, vector<128x128xf32>, vector<1000x128xf32> -> vector<1000x128xf32>
    %get3A_18 = arith.constant 0 : index
    %get3A_19 = arith.constant 0 : index
    %get3A_20 = vector.load %arg4[%get3A_18, %get3A_19] : memref<1000x128xf32, #tpu.memory_space<vmem>>, vector<1000x128xf32>
    %get3A_21 = arith.constant 0 : index
    %get3A_22 = arith.constant 0 : index
    %get3A_23 = vector.load %arg6[%get3A_21, %get3A_22] : memref<128x128xf32, #tpu.memory_space<vmem>>, vector<128x128xf32>
    %dot_general3A_24 = arith.constant dense<0.000000e+00> : vector<1000x128xf32>
    %dot_general3A_25 = tpu.matmul %get3A_20, %get3A_23, %dot_general3A_24 {dimension_numbers = #tpu.dot_dimension_numbers<[1], [1], [0], [0], [0, 0, 1, 0], [], []>, transpose_lhs_hint = false} : vector<1000x128xf32>, vector<128x128xf32>, vector<1000x128xf32> -> vector<1000x128xf32>
    %add3A_26 = arith.addf %dot_general3A_17, %dot_general3A_25 : vector<1000x128xf32>
    %get3A_27 = arith.constant 0 : index
    %get3A_28 = arith.constant 0 : index
    %get3A_29 = vector.load %arg7[%get3A_27, %get3A_28] : memref<1x128xf32, #tpu.memory_space<vmem>>, vector<1x128xf32>
    %add3A_30 = vector.broadcast %get3A_29 : vector<1x128xf32> to vector<1000x128xf32>
    %add3A_31 = arith.addf %add3A_26, %add3A_30 : vector<1000x128xf32>
    %gt3A = arith.constant 0.000000e+00 : f32
    %gt3A_32 = vector.broadcast %gt3A : f32 to vector<1000x128xf32>
    %gt3A_33 = arith.cmpf ogt, %add3A_31, %gt3A_32 : vector<1000x128xf32>
    %mul3A_34 = arith.constant 0.00999999977 : f32
    %mul3A_35 = vector.broadcast %mul3A_34 : f32 to vector<1000x128xf32>
    %mul3A_36 = arith.mulf %mul3A_35, %add3A_31 : vector<1000x128xf32>
    %select_n3A = arith.select %gt3A_33, %add3A_31, %mul3A_36 : vector<1000x128xi1>, vector<1000x128xf32>
    %swap3A = arith.constant 0 : index
    %swap3A_37 = arith.constant 0 : index
    %swap3A_38 = vector.load %arg8[%swap3A, %swap3A_37] : memref<1000x128xf32, #tpu.memory_space<vmem>>, vector<1000x128xf32>
    tpu.vector_store %arg8[%swap3A, %swap3A_37], %select_n3A {strides = array<i32>} : memref<1000x128xf32, #tpu.memory_space<vmem>>, vector<1000x128xf32>,
    return
  }
  func.func @transform_0(%arg0: i32) -> (i32, i32) {
    %c0_i32 = arith.constant 0 : i32
    %c0_i32_0 = arith.constant 0 : i32
    return %arg0, %c0_i32 : i32, i32
  }
  func.func @transform_1(%arg0: i32) -> (i32, i32) {
    %c0_i32 = arith.constant 0 : i32
    %c0_i32_0 = arith.constant 0 : i32
    return %arg0, %c0_i32 : i32, i32
  }
  func.func @transform_2(%arg0: i32) -> (i32, i32) {
    %c0_i32 = arith.constant 0 : i32
    %c0_i32_0 = arith.constant 0 : i32
    return %arg0, %c0_i32 : i32, i32
  }
  func.func @transform_3(%arg0: i32) -> (i32, i32) {
    %c0_i32 = arith.constant 0 : i32
    %c0_i32_0 = arith.constant 0 : i32
    return %arg0, %c0_i32 : i32, i32
  }
  func.func @transform_4(%arg0: i32) -> (i32, i32) {
    %c0_i32 = arith.constant 0 : i32
    %c0_i32_0 = arith.constant 0 : i32
    %c0_i32_1 = arith.constant 0 : i32
    return %c0_i32, %c0_i32_0 : i32, i32
  }
  func.func @transform_5(%arg0: i32) -> (i32, i32) {
    %c0_i32 = arith.constant 0 : i32
    %c0_i32_0 = arith.constant 0 : i32
    %c0_i32_1 = arith.constant 0 : i32
    return %c0_i32, %c0_i32_0 : i32, i32
  }
  func.func @transform_6(%arg0: i32) -> (i32, i32) {
    %c0_i32 = arith.constant 0 : i32
    %c0_i32_0 = arith.constant 0 : i32
    %c0_i32_1 = arith.constant 0 : i32
    return %c0_i32, %c0_i32_0 : i32, i32
  }
  func.func @transform_7(%arg0: i32) -> (i32, i32) {
    %c0_i32 = arith.constant 0 : i32
    %c0_i32_0 = arith.constant 0 : i32
    return %arg0, %c0_i32 : i32, i32
  }
}

module attributes {stable_mosaic.version = 14 : i64} {
  func.func @_dense_body(%arg0: i32, %arg1: memref<1000x128xf32, #tpu.memory_space<vmem>>, %arg2: memref<1000x128xf32, #tpu.memory_space<vmem>>, %arg3: memref<1000x32xf32, #tpu.memory_space<vmem>>, %arg4: memref<1000x128xf32, #tpu.memory_space<vmem>>, %arg5: memref<128x128xf32, #tpu.memory_space<vmem>>, %arg6: memref<128x128xf32, #tpu.memory_space<vmem>>, %arg7: memref<1x128xf32, #tpu.memory_space<vmem>>, %arg8: memref<1000x128xf32, #tpu.memory_space<vmem>>) attributes {dimension_semantics = [#tpu.dimension_semantics<arbitrary>], iteration_bounds = array<i64: 10>, scalar_prefetch = 0 : i64, scratch_operands = 0 : i64, tpu.core_type = #tpu.core_type<tc>, window_params = [{transform_indices = @transform_0, window_bounds = array<i64: 1000, 128>}, {transform_indices = @transform_1, window_bounds = array<i64: 1000, 128>}, {transform_indices = @transform_2, window_bounds = array<i64: 1000, 32>}, {transform_indices = @transform_3, window_bounds = array<i64: 1000, 128>}, {pipeline_mode = #tpu.pipeline_mode<synchronous>, transform_indices = @transform_4, window_bounds = array<i64: 128, 128>}, {pipeline_mode = #tpu.pipeline_mode<synchronous>, transform_indices = @transform_5, window_bounds = array<i64: 128, 128>}, {pipeline_mode = #tpu.pipeline_mode<synchronous>, transform_indices = @transform_6, window_bounds = array<i64: 1, 128>}, {transform_indices = @transform_7, window_bounds = array<i64: 1000, 128>}]} {
    %get3A = arith.constant 0 : index
    %get3A_0 = arith.constant 0 : index
    %get3A_1 = vector.load %arg3[%get3A, %get3A_0] : memref<1000x32xf32, #tpu.memory_space<vmem>>, vector<1000x32xf32>
    %reduce_sum3A = arith.constant dense<0.000000e+00> : vector<1000xf32>
    %reduce_sum3A_2 = vector.multi_reduction <add>, %get3A_1, %reduce_sum3A [1] : vector<1000x32xf32> to vector<1000xf32>
    %max3A = arith.constant 1.000000e+00 : f32
    %max3A_3 = vector.broadcast %max3A : f32 to vector<1000xf32>
    %max3A_4 = arith.maximumf %reduce_sum3A_2, %max3A_3 : vector<1000xf32>
    %div3A = arith.constant 1.000000e+00 : f32
    %div3A_5 = vector.broadcast %div3A : f32 to vector<1000xf32>
    %div3A_6 = arith.divf %div3A_5, %max3A_4 : vector<1000xf32>
    %get3A_7 = arith.constant 0 : index
    %get3A_8 = arith.constant 0 : index
    %get3A_9 = vector.load %arg1[%get3A_7, %get3A_8] : memref<1000x128xf32, #tpu.memory_space<vmem>>, vector<1000x128xf32>
    %get3A_10 = arith.constant 0 : index
    %get3A_11 = arith.constant 0 : index
    %get3A_12 = vector.load %arg2[%get3A_10, %get3A_11] : memref<1000x128xf32, #tpu.memory_space<vmem>>, vector<1000x128xf32>
    %add3A = arith.addf %get3A_9, %get3A_12 : vector<1000x128xf32>
    %broadcast_in_dim3A = vector.shape_cast %div3A_6 : vector<1000xf32> to vector<1000x1xf32>
    %mul3A = vector.broadcast %broadcast_in_dim3A : vector<1000x1xf32> to vector<1000x128xf32>
    %mul3A_13 = arith.mulf %add3A, %mul3A : vector<1000x128xf32>
    %get3A_14 = arith.constant 0 : index
    %get3A_15 = arith.constant 0 : index
    %get3A_16 = vector.load %arg5[%get3A_14, %get3A_15] : memref<128x128xf32, #tpu.memory_space<vmem>>, vector<128x128xf32>
    %dot_general3A = arith.constant dense<0.000000e+00> : vector<1000x128xf32>
    %dot_general3A_17 = tpu.matmul %mul3A_13, %get3A_16, %dot_general3A {dimension_numbers = #tpu.dot_dimension_numbers<[1], [1], [0], [0], [0, 0, 1, 0], [], []>, transpose_lhs_hint = false} : vector<1000x128xf32>, vector<128x128xf32>, vector<1000x128xf32> -> vector<1000x128xf32>
    %get3A_18 = arith.constant 0 : index
    %get3A_19 = arith.constant 0 : index
    %get3A_20 = vector.load %arg4[%get3A_18, %get3A_19] : memref<1000x128xf32, #tpu.memory_space<vmem>>, vector<1000x128xf32>
    %get3A_21 = arith.constant 0 : index
    %get3A_22 = arith.constant 0 : index
    %get3A_23 = vector.load %arg6[%get3A_21, %get3A_22] : memref<128x128xf32, #tpu.memory_space<vmem>>, vector<128x128xf32>
    %dot_general3A_24 = arith.constant dense<0.000000e+00> : vector<1000x128xf32>
    %dot_general3A_25 = tpu.matmul %get3A_20, %get3A_23, %dot_general3A_24 {dimension_numbers = #tpu.dot_dimension_numbers<[1], [1], [0], [0], [0, 0, 1, 0], [], []>, transpose_lhs_hint = false} : vector<1000x128xf32>, vector<128x128xf32>, vector<1000x128xf32> -> vector<1000x128xf32>
    %add3A_26 = arith.addf %dot_general3A_17, %dot_general3A_25 : vector<1000x128xf32>
    %get3A_27 = arith.constant 0 : index
    %get3A_28 = arith.constant 0 : index
    %get3A_29 = vector.load %arg7[%get3A_27, %get3A_28] : memref<1x128xf32, #tpu.memory_space<vmem>>, vector<1x128xf32>
    %add3A_30 = vector.broadcast %get3A_29 : vector<1x128xf32> to vector<1000x128xf32>
    %add3A_31 = arith.addf %add3A_26, %add3A_30 : vector<1000x128xf32>
    %gt3A = arith.constant 0.000000e+00 : f32
    %gt3A_32 = vector.broadcast %gt3A : f32 to vector<1000x128xf32>
    %gt3A_33 = arith.cmpf ogt, %add3A_31, %gt3A_32 : vector<1000x128xf32>
    %mul3A_34 = arith.constant 0.00999999977 : f32
    %mul3A_35 = vector.broadcast %mul3A_34 : f32 to vector<1000x128xf32>
    %mul3A_36 = arith.mulf %mul3A_35, %add3A_31 : vector<1000x128xf32>
    %select_n3A = arith.select %gt3A_33, %add3A_31, %mul3A_36 : vector<1000x128xi1>, vector<1000x128xf32>
    %swap3A = arith.constant 0 : index
    %swap3A_37 = arith.constant 0 : index
    %swap3A_38 = vector.load %arg8[%swap3A, %swap3A_37] : memref<1000x128xf32, #tpu.memory_space<vmem>>, vector<1000x128xf32>
    tpu.vector_store %arg8[%swap3A, %swap3A_37], %select_n3A {strides = array<i32>} : memref<1000x128xf32, #tpu.memory_space<vmem>>, vector<1000x128xf32>,
    return
  }
  func.func @transform_0(%arg0: i32) -> (i32, i32) {
    %c0_i32 = arith.constant 0 : i32
    %c0_i32_0 = arith.constant 0 : i32
    return %arg0, %c0_i32 : i32, i32
  }
  func.func @transform_1(%arg0: i32) -> (i32, i32) {
    %c0_i32 = arith.constant 0 : i32
    %c0_i32_0 = arith.constant 0 : i32
    return %arg0, %c0_i32 : i32, i32
  }
  func.func @transform_2(%arg0: i32) -> (i32, i32) {
    %c0_i32 = arith.constant 0 : i32
    %c0_i32_0 = arith.constant 0 : i32
    return %arg0, %c0_i32 : i32, i32
  }
  func.func @transform_3(%arg0: i32) -> (i32, i32) {
    %c0_i32 = arith.constant 0 : i32
    %c0_i32_0 = arith.constant 0 : i32
    return %arg0, %c0_i32 : i32, i32
  }
  func.func @transform_4(%arg0: i32) -> (i32, i32) {
    %c0_i32 = arith.constant 0 : i32
    %c0_i32_0 = arith.constant 0 : i32
    %c0_i32_1 = arith.constant 0 : i32
    return %c0_i32, %c0_i32_0 : i32, i32
  }
  func.func @transform_5(%arg0: i32) -> (i32, i32) {
    %c0_i32 = arith.constant 0 : i32
    %c0_i32_0 = arith.constant 0 : i32
    %c0_i32_1 = arith.constant 0 : i32
    return %c0_i32, %c0_i32_0 : i32, i32
  }
  func.func @transform_6(%arg0: i32) -> (i32, i32) {
    %c0_i32 = arith.constant 0 : i32
    %c0_i32_0 = arith.constant 0 : i32
    %c0_i32_1 = arith.constant 0 : i32
    return %c0_i32, %c0_i32_0 : i32, i32
  }
  func.func @transform_7(%arg0: i32) -> (i32, i32) {
    %c0_i32 = arith.constant 0 : i32
    %c0_i32_0 = arith.constant 0 : i32
    return %arg0, %c0_i32 : i32, i32
  }
}

</mosaic_0001>

<sc_bundles>
// kernel: kernel.6.cloned.1.call-start
scs
__scs_entry_jumppad:
0x0: {  	(pc) =	sbr.rel $0x88, $3  }
0x1: {  	(tag) =	ssettag $0x0;
	lr =	simm.s32 $0x1  }
0x2: {  	[smem:$0x3F99] =	sst lr;
	_ =	strace $0xD0000000  }
0x3: {  	_ = 	snop  }
0x4: {  	_ = 	snop  }
0x5: {  	_ = 	snop  }
0x6: {  	_ = 	snop  }
0x7: {  	_ = 	snop  }
__scs_overlays_trampoline_lowered:
0x8: {  	[smem:$0x3FA8] =	sst s0  }
0x9: {  	[smem:$0x3FA9] =	sst s1  }
0xa: {  	[smem:$0x3FAA] =	sst s2  }
0xb: {  	[smem:$0x3FAB] =	sst s3  }
0xc: {  	[smem:$0x3FAC] =	sst s4  }
0xd: {  	[smem:$0x3FAD] =	sst s5  }
0xe: {  	[smem:$0x3FAE] =	sst s6  }
0xf: {  	[smem:$0x3FAF] =	sst s7  }
0x10: {  	[smem:$0x3FB0] =	sst s8  }
0x11: {  	[smem:$0x3FB1] =	sst s9;
	s0 =	simm.s32 @!p0 $0x0  }
0x12: {  	s1 =	sld [smem:$0x3F97];
	s0 =	simm.s32 @p0 $0x1  }
0x13: {  	[smem:$0x3FB2] =	sst s0;
	s0 =	simm.s32 @!p1 $0x0  }
0x14: {  	s2 =	sld [smem:$0x3F96];
	s0 =	simm.s32 @p1 $0x1  }
0x15: {  	[smem:$0x3FB3] =	sst s0;
	s0 =	simm.s32 @!p2 $0x0  }
0x16: {  	s3 =	sld [smem:$0x3FDB];
	s0 =	simm.s32 @p2 $0x1  }
0x17: {  	s4 =	simm.s32 $0x1BF5;
	[smem:$0x3FB5] =	sst s0  }
0x18: {  	s0 =	sld [smem:$0x3F98];
	_ =	swait.ge [sflag:s4], $0x0  }
0x19: {  	s7 =	sld [smem:$0x3F99]  }
0x1a: {  	s8 =	sadd.s32 $0xFFFFE003, lr  }
0x1b: {  	s9 =	sadd.s32 $0xFFFFFEF7, lr;
	s5 =	simm.s32 $0xFFFFFFFF;
	p2 =	slt.u32 s8, $0xFFFFF086  }
0x1c: {  	p1 =	slt.u32 s9, $0xF7A;
	s5 =	simm.s32 @!p2 $0x0  }
0x1d: {  	s5 =	simm.s32 @p1 $0x1;
	p0 =	seq.s32 s7, s2  }
0x1e: {  	s7 =	smul.u32 @!p0 $0xF7A, s2;
	p2 =	seq.s32 @!p0 s5, $0x0  }
0x1f: {  	s9 =	smul.u32 $0xF7A, s1;
	s8 =	simm.s32 @!p0 $0x1BF5;
	p2 =	por !p2, p0  }
0x20: {  	[sflag:s8] =	ssyncset.s32 @!p0 $0xFFFFF086;
	s6 =	sadd.s32 @!p0 s3, s7;
	s7 =	simm.s32 @!p0 $0x108  }
0x21: {  	s3 =	sadd.s32 s3, s9;
	s6 =	sadd.s32 @!p0 $0x88, s6;
	s7 =	simm.s32 @p2 $0x1082  }
0x22: {  	[simem:s7], [sflag:s8] =	dma.local @!p0 [hbm:s6], $0xF7A  }
0x23: {  	s9 =	sor.u32 $0xD0000000, s2;
	s6 =	simm.s32 $0x108;
	_ =	swait.ge @!p0 [sflag:s8], $0x0  }
0x24: {  	s3 =	sadd.s32 $0x88, s3;
	s6 =	simm.s32 @!p1 $0x1082;
	[sflag:s4] =	ssyncset.s32 $0xFFFFF086  }
0x25: {  	[simem:s6], [sflag:s4] =	dma.local [hbm:s3], $0xF7A  }
0x26: {  	[smem:$0x3F99] =	sst s1;
	(tag) =	ssettag s2;
	_ =	strace s9  }
0x27: {  	s1 =	sld [smem:$0x3FA9]  }
0x28: {  	s2 =	sld [smem:$0x3FAA]  }
0x29: {  	s4 =	sld [smem:$0x3FAC]  }
0x2a: {  	p0 =	seq.s32 s5, $0x0;
	s5 =	sld [smem:$0x3FAD]  }
0x2b: {  	s6 =	sld [smem:$0x3FAE]  }
0x2c: {  	s7 =	sld [smem:$0x3FAF]  }
0x2d: {  	s3 =	simm.s32 $0x108;
	s8 =	sld [smem:$0x3FB0]  }
0x2e: {  	s3 =	simm.s32 @!p0 $0x1082;
	s9 =	sld [smem:$0x3FB1]  }
0x2f: {  	lr =	sadd.s32 s0, s3;
	s0 =	sld [smem:$0x3FA8]  }
0x30: {  	s3 =	sld [smem:$0x3FAB]  }
0x31: {  	[smem:$0x3FB4] =	sst s10  }
0x32: {  	s10 =	sld [smem:$0x3FB2];
	_ =	sdelay $0x3  }
0x33: {  	p0 =	seq.s32 s10, $0x1;
	s10 =	sld [smem:$0x3FB4];
	_ =	sdelay $0x3  }
0x34: {  	[smem:$0x3FB4] =	sst s10  }
0x35: {  	s10 =	sld [smem:$0x3FB3];
	_ =	sdelay $0x3  }
0x36: {  	p1 =	seq.s32 s10, $0x1;
	s10 =	sld [smem:$0x3FB4];
	_ =	sdelay $0x3  }
0x37: {  	[smem:$0x3FB4] =	sst s10  }
0x38: {  	s10 =	sld [smem:$0x3FB5]  }
0x39: {  	_ = 	snop;
	(pc) =	sbr.ind lr, $3  }
0x3a: {  	_ = 	snop  }
0x3b: {  	_ = 	snop  }
0x3c: {  	p2 =	seq.s32 s10, $0x1;
	s10 =	sld [smem:$0x3FB4]  }
0x3d: {  	_ =	shalt  }
0x3e: {  	_ =	shalt  }
0x3f: {  	_ =	shalt  }
0x40: {  	_ =	shalt  }
0x41: {  	_ =	shalt  }
0x42: {  	_ =	shalt  }
0x43: {  	_ =	shalt  }
0x44: {  	_ =	shalt  }
0x45: {  	_ =	shalt  }
0x46: {  	_ =	shalt  }
0x47: {  	_ =	shalt  }
0x48: {  	_ =	shalt  }
0x49: {  	_ =	shalt  }
0x4a: {  	_ =	shalt  }
0x4b: {  	_ =	shalt  }
0x4c: {  	_ =	shalt  }
0x4d: {  	_ =	shalt  }
0x4e: {  	_ =	shalt  }
0x4f: {  	_ =	shalt  }
0x50: {  	_ =	shalt  }
0x51: {  	_ =	shalt  }
0x52: {  	_ =	shalt  }
0x53: {  	_ =	shalt  }
0x54: {  	_ =	shalt  }
0x55: {  	_ =	shalt  }
0x56: {  	_ =	shalt  }
0x57: {  	_ =	shalt  }
0x58: {  	_ =	shalt  }
0x59: {  	_ =	shalt  }
0x5a: {  	_ =	shalt  }
0x5b: {  	_ =	shalt  }
0x5c: {  	_ =	shalt  }
0x5d: {  	_ =	shalt  }
0x5e: {  	_ =	shalt  }
0x5f: {  	_ =	shalt  }
0x60: {  	_ =	shalt  }
0x61: {  	_ =	shalt  }
0x62: {  	_ =	shalt  }
0x63: {  	_ =	shalt  }
0x64: {  	_ =	shalt  }
0x65: {  	_ =	shalt  }
0x66: {  	_ =	shalt  }
0x67: {  	_ =	shalt  }
0x68: {  	_ =	shalt  }
0x69: {  	_ =	shalt  }
0x6a: {  	_ =	shalt  }
0x6b: {  	_ =	shalt  }
0x6c: {  	_ =	shalt  }
0x6d: {  	_ =	shalt  }
0x6e: {  	_ =	shalt  }
0x6f: {  	_ =	shalt  }
0x70: {  	_ =	shalt  }
0x71: {  	_ =	shalt  }
0x72: {  	_ =	shalt  }
0x73: {  	_ =	shalt  }
0x74: {  	_ =	shalt  }
0x75: {  	_ =	shalt  }
0x76: {  	_ =	shalt  }
0x77: {  	_ =	shalt  }
0x78: {  	_ =	shalt  }
0x79: {  	_ =	shalt  }
0x7a: {  	_ =	shalt  }
0x7b: {  	_ =	shalt  }
0x7c: {  	_ =	shalt  }
0x7d: {  	_ =	shalt  }
0x7e: {  	_ =	shalt  }
0x7f: {  	_ =	shalt  }
0x80: {  	_ =	shalt  }
0x81: {  	_ =	shalt  }
0x82: {  	_ =	shalt  }
0x83: {  	_ =	shalt  }
0x84: {  	_ =	shalt  }
0x85: {  	_ =	shalt  }
0x86: {  	_ =	shalt  }
0x87: {  	_ =	shalt  }
.Lfunc_end0:
.L_simem_size_0:
called_computation_lowered:
.L_overlay_start_0:
0x88: {  	s2 =	sld [smem:$0x3FD9]  }
0x89: {  	s3 =	sld [smem:$0x3FFE];
	_ =	sdelay $0x1  }
0x8a: {  	s1 =	srdreg.scid  }
0x8b: {  	s0 =	sand.u32 $0x1, s1  }
0x8c: {  	s17 =	sshll.u32 s0, $0xA;
	s2 =	sadd.s32 s3, s2  }
0x8d: {  	s2 =	sadd.s32 s2, s17  }
0x8e: {  	[smem:$0x3FC0] =	sst s2  }
0x8f: {  	_ = 	snop  }
0x90: {  	s2 =	sld [smem:$0x3FC9]  }
0x91: {  	s18 =	sld [smem:$0x3FD0];
	(tm) =	ssettm $0x1  }
0x92: {  	s4 =	sld [smem:$0x3FFB];
	_ =	sdelay $0x3  }
0x93: {  	_ =	strace s4  }
0x94: {  	s4 =	sld [smem:$0x3FFC];
	_ =	sdelay $0x3  }
0x95: {  	_ =	strace s4  }
0x96: {  	s4 =	sld [smem:$0x3FFD];
	_ =	sdelay $0x3  }
0x97: {  	_ =	strace s4  }
0x98: {  	_ =	strace $0x8FFFFFFF  }
0x99: {  	s19 =	sld [smem:$0x3FDB];
	_ =	sdelay $0x1  }
0x9a: {  	s5 =	simm.s32 $_scs_section_size  }
0x9b: {  	s6 =	simm.s32 $_size__tile_overlayer_lowered;
	s7 =	simm.s32 $_tile_overlayer_lowered  }
0x9c: {  	s22 =	simm.s32 $0x1BFF;
	s21 =	sshll.u32 s7, $0x1;
	s4 =	sadd.s32 s5, s19  }
0x9d: {  	s8 =	simm.s32 $0x0;
	s20 =	sshll.u32 s6, $0x1;
	s6 =	sadd.s32 s21, s4  }
0x9e: {  	[timem:s8], [sflag:s22] =	dma.local [hbm:s6], s20  }
0x9f: {  	_ =	swait.ge [sflag:s22], s20  }
0xa0: {  	s5 =	ssub.s32 $0x0, s20;
	[sflag:s22] =	ssyncset.done $0x0  }
0xa1: {  	[sflag:s22] =	ssyncadd.s32 s5;
	_ =	sdelay $0x1  }
0xa2: {  	s23 =	simm.s32 $0x1B8B  }
0xa3: {  	_ =	swait.ge [sflag:s23], $0x1  }
0xa4: {  	[sflag:s23] =	ssyncset.done $0x0  }
0xa5: {  	s25 =	simm.s32 $0x1B8E;
	s24 =	sld [smem:$0x3FFE];
	[sflag:s23] =	ssyncadd.s32 $0xFFFFFFFF  }
0xa6: {  	s26 =	simm.s32 $execute0_lowered;
	[smem:$0x3FD2] =	sst s25  }
0xa7: {  	s6 =	sshll.u32 s26, $0x1;
	_ =	strace $0x80000046;
	[dreg:$0x1] =	wrdreg $0xFFFFFFFF  }
0xa8: {  	s28 =	simm.s32 $_size_execute0_lowered;
	s4 =	sadd.s32 s4, s6;
	[dreg:$0x0] =	wrdreg $0x0  }
0xa9: {  	s6 =	sshll.u32 s28, $0x1;
	[dreg:$0x2] =	wrdreg s4  }
0xaa: {  	[dreg:$0x3] =	wrdreg s6  }
0xab: {  	[dreg:$0x4] =	wrdreg $0xC0  }
0xac: {  	_ =	task [dreg:s8], $0x5FFFF  }
0xad: {  	[dreg:$0x1] =	wrdreg $0xFFFFFFFF  }
0xae: {  	[dreg:$0x0] =	wrdreg $0x60  }
0xaf: {  	[dreg:$0x2] =	wrdreg s2  }
0xb0: {  	[dreg:$0x3] =	wrdreg s24  }
0xb1: {  	[dreg:$0x4] =	wrdreg s18  }
0xb2: {  	[dreg:$0x5] =	wrdreg $0x0  }
0xb3: {  	[dreg:$0x6] =	wrdreg $0x9  }
0xb4: {  	_ =	task.clear_ibuf [dreg:s8], $0x7FFFF;
	_ =	strace $0x90000046  }
0xb5: {  	s29 =	simm.s32 $0x9;
	_ =	strace $0x80000048  }
0xb6: {  	_ =	swait.ge [sflag:s29], $0x1  }
0xb7: {  	[sflag:s29] =	ssyncadd.s32 $0xFFFFFFFF  }
0xb8: {  	_ =	strace $0x90000048  }
0xb9: {  	_ =	sfence  }
0xba: {  	s30 =	sld [smem:$0x0];
	_ =	sdelay $0x2  }
0xbb: {  	s31 =	sshll.u32 s1, $0xD;
	s1 =	sshrl.u32 s1, $0x2  }
0xbc: {  	s3 =	sand.u32 $0x4000, s31;
	s1 =	sadd.s32 s1, s30  }
0xbd: {  	s0 =	sor.u32 s3, s0;
	s1 =	sshll.u32 s1, $0x11  }
0xbe: {  	s0 =	sor.u32 s1, s0  }
0xbf: {  	s0 =	sadd.s32 $0x8F2B, s0  }
0xc0: {  	[sflag:s0] =	ssyncadd.remote.s32 $0x1  }
0xc1: {  	_ =	sfence.sel $0xFFFF  }
0xc2: {  	[dreg:$0x0] =	wrdreg $0xFFFFFFFF;
	(pc) =	sbr.abs _section_cstart, $3  }
0xc3: {  	[dreg:$0x1] =	wrdreg $0xFFFFFFFF  }
0xc4: {  	_ =	task.clear_ibuf [dreg:s8], $0x2FFFF;
	_ =	strace $0x9FFFFFFF  }
0xc5: {  	(tm) =	ssettm $0x7FFFFFFF  }
tec
execute0_lowered:
.L_overlay_start_1:
0x0: {  	(tag) =	ssettag $0x1  }
0x1: {  	s1 =	rddreg [dreg:$0x0]  }
0x2: {  	s8 =	rddreg [dreg:$0x1]  }
0x3: {  	s12 =	rddreg [dreg:$0x2]  }
0x4: {  	s3 =	rddreg [dreg:$0x3]  }
0x5: {  	s0 =	rddreg [dreg:$0x4];
	s2 =	stileid.u32  }
0x6: {  	s5 =	srdreg.scid;
	s4 =	simm.s32 $0x0;
	s18 =	simm.s32 $0x14000  }
0x7: {  	s19 =	simm.s32 $0x80;
	s20 =	simm.s32 $0x14400;
	s21 =	simm.s32 $0x400  }
0x8: {  	s22 =	simm.s32 $0x0;
	s7 =	smul.u32 $0x13C00, s2;
	s9 =	sand.u32 $0x1, s5  }
0x9: {  	[smem:$0x7FF] =	sst s4;
	s5 =	sadd.s32 $0xBA00, s8;
	s6 =	sadd.s32 $0x1A00, s8  }
0xa: {  	s14 =	smul.u32 $0x4F000, s2;
	s16 =	sshll.u32 s2, $0x7;
	s30 =	sshll.u32 s2, $0x6  }
0xb: {  	s10 =	smul.u32 $0x13C000, s9;
	_ =	strace $0x80000047;
	s13 =	sshll.u32 s9, $0x4  }
0xc: {  	s9 =	ssub.s32 $0x2, s9;
	s29 =	sand.u32 $0x380, s16;
	s11 =	sshrl.u32 s7, $0x3  }
0xd: {  	s13 =	sor.u32 s2, s13;
	s26 =	sshrl.u32 s9, $0x1;
	s14 =	sshrl.u32 s14, $0x2  }
0xe: {  	s11 =	sadd.s32 s11, s8;
	s10 =	sadd.s32 s7, s10;
	s7 =	sadd.s32 $0x15A00, s8  }
0xf: {  	s28 =	sshrl.u32 s13, $0x3;
	s17 =	ssub.s32 s9, s26;
	s10 =	sshrl.u32 s10, $0x3  }
0x10: {  	s14 =	sadd.s32 s14, s3;
	s15 =	sadd.s32 s10, s8;
	s10 =	smul.u32 $0x13C00, s28  }
0x11: {  	s9 =	sor.u32 $0x1C01, s30;
	s14 =	sshrl.u32 s14, $0x3;
	s8 =	sadd.s32 $0x16000, s11  }
0x12: {  	s11 =	sadd.s32 $0x3D800, s15;
	s15 =	simm.s32 $0x1;
	s16 =	sor.u32 s29, s10  }
0x13: {  	s10 =	smul.u32 $0x2800, s13;
	s13 =	smax.u32 s17, $0x1;
	s31 =	sshrl.u32 s16, $0x3  }
0x14: {  	v0 =	vimm.f32 $1.000000000e+00;
	s17 =	simm.s32 $0x13C00;
	s16 =	simm.s32 $0x18400;
	s12 =	sadd.s32 s12, s31  }
.LBB2_1:
0x15: {  	[spmem:s14], [sflag:s9] =	dma.local [hbm:s8], $0x2780  }
0x16: {  	_ =	swait.ge [sflag:s15], $0x2780  }
0x17: {  	[sflag:s15] =	ssyncset.done $0x0  }
0x18: {  	[sflag:s15] =	ssyncadd.s32 $0xFFFFD880  }
0x19: {  	[tilespmem:s16], [sflag:$0x1] =	stream.linear.gather [hbm4b:s7+s4], $0x2780, $0x38;
	[tilespmem:$0x1AB80] =	vst v63  }
0x1a: {  	_ =	swait.ge [sflag:s15], $0x2780  }
0x1b: {  	[sflag:s15] =	ssyncset.done $0x0  }
0x1c: {  	[sflag:s15] =	ssyncadd.s32 $0xFFFFD880  }
0x1d: {  	s23 =	simm.s32 $0x0;
	[bflag:$0x0] =	sbarrier.arrive $0xFFFF  }
.LBB2_2:
0x1e: {  	s24 =	sshll.u32 s23, $0xA  }
0x1f: {  	s24 =	sadd.s32 s10, s24  }
0x20: {  	s25 =	sshrl.u32 s24, $0x3  }
0x21: {  	s24 =	simm.s32 $0x0;
	s26 =	sadd.s32 s5, s25  }
0x22: {  	[tilespmem:s17], [sflag:$0x1] =	stream.linear.gather [hbm4b:s26+s24], $0x400, $0x38;
	[tilespmem:$0x1AB80] =	vst v63  }
0x23: {  	_ =	swait.ge [sflag:s15], $0x400  }
0x24: {  	[sflag:s15] =	ssyncset.done $0x0  }
0x25: {  	s25 =	sadd.s32 s6, s25;
	[sflag:s15] =	ssyncadd.s32 $0xFFFFFC00  }
0x26: {  	[tilespmem:s18], [sflag:$0x1] =	stream.linear.gather [hbm4b:s25+s24], $0x400, $0x38;
	[tilespmem:$0x1AB80] =	vst v63  }
0x27: {  	_ =	swait.ge [sflag:s15], $0x400  }
0x28: {  	[sflag:s15] =	ssyncset.done $0x0  }
0x29: {  	[sflag:s15] =	ssyncadd.s32 $0xFFFFFC00  }
.LBB2_3:
0x2a: {  	s25 =	sshra.s32 s24, $0x2  }
0x2b: {  	s26 =	sadd.s32 $0x13C00, s25  }
0x2c: {  	[tilespmem:s20], [sflag:$0x1] =	stream.indirect.gather [hbm4b:s1+s19], $0x80, s26, s19, $0xb8;
	[tilespmem:$0x1AB80] =	vst v63  }
0x2d: {  	_ =	swait.ge [sflag:s15], $0x4000  }
0x2e: {  	[sflag:s15] =	ssyncset.done $0x0  }
0x2f: {  	s31 =	sadd.s32 $0x14000, s25;
	[sflag:s15] =	ssyncadd.s32 $0xFFFFC000  }
0x30: {  	[spmem:s3] =	stream.indirect.scatter.add.f32 [tilespmem:s20], [sflag:$0x1], $0x80, s31, s19, $0xb8;
	[tilespmem:$0x1AB80] =	vst v63  }
0x31: {  	_ =	swait.ge [sflag:s15], $0x4000  }
0x32: {  	[sflag:s15] =	ssyncset.done $0x0  }
0x33: {  	[sflag:s15] =	ssyncadd.s32 $0xFFFFC000  }
0x34: {  	v1 =	vld [tilespmem:s25+$0x14000];
	_ =	sdelay $0x7  }
0x35: {  	[tilespmem:v1+s16+$0x0] =	vst.idx.add.f32.msk $0xffff, v0  }
0x36: {  	v1 =	vld [tilespmem:s25+$0x14010];
	_ =	sdelay $0x7  }
0x37: {  	[tilespmem:v1+s16+$0x0] =	vst.idx.add.f32.msk $0xffff, v0  }
0x38: {  	v1 =	vld [tilespmem:s25+$0x14020];
	_ =	sdelay $0x7  }
0x39: {  	[tilespmem:v1+s16+$0x0] =	vst.idx.add.f32.msk $0xffff, v0  }
0x3a: {  	v1 =	vld [tilespmem:s25+$0x14030];
	_ =	sdelay $0x7  }
0x3b: {  	[tilespmem:v1+s16+$0x0] =	vst.idx.add.f32.msk $0xffff, v0  }
0x3c: {  	v1 =	vld [tilespmem:s25+$0x14040];
	_ =	sdelay $0x7  }
0x3d: {  	[tilespmem:v1+s16+$0x0] =	vst.idx.add.f32.msk $0xffff, v0  }
0x3e: {  	v1 =	vld [tilespmem:s25+$0x14050];
	_ =	sdelay $0x7  }
0x3f: {  	[tilespmem:v1+s16+$0x0] =	vst.idx.add.f32.msk $0xffff, v0  }
0x40: {  	v1 =	vld [tilespmem:s25+$0x14060];
	_ =	sdelay $0x7  }
0x41: {  	[tilespmem:v1+s16+$0x0] =	vst.idx.add.f32.msk $0xffff, v0  }
0x42: {  	v1 =	vld [tilespmem:s25+$0x14070];
	_ =	sdelay $0x2  }
0x43: {  	p0 =	sne.s32 s24, $0xE00  }
.Ltmp0:
0x44: {  	_ = 	snop;
	(pc) =	sbr.rel @p0 .LBB2_3-.Ltmp0, $2  }
0x45: {  	_ =	sdelay $0x2  }
0x46: {  	s24 =	sadd.s32 $0x200, s24;
	[tilespmem:v1+s16+$0x0] =	vst.idx.add.f32.msk $0xffff, v0  }
0x47: {  	s23 =	sadd.s32 $0x1, s23  }
0x48: {  	p0 =	sne.s32 s23, $0xA  }
.Ltmp1:
0x49: {  	_ = 	snop;
	(pc) =	sbr.rel @p0 .LBB2_2-.Ltmp1, $1  }
0x4a: {  	_ =	sdelay $0x3  }
0x4b: {  	[bflag:$0x0] =	sbarrier.arrive $0xFFFF  }
0x4c: {  	[hbm:s11], [sflag:s9] =	dma.local [spmem:s14], $0x2780  }
0x4d: {  	s22 =	sadd.s32 $0x1, s22;
	_ =	swait.ge [sflag:s15], $0x2780  }
0x4e: {  	p0 =	sne.s32 s22, s13;
	[sflag:s15] =	ssyncset.done $0x0  }
.Ltmp2:
0x4f: {  	[sflag:s15] =	ssyncadd.s32 $0xFFFFD880;
	(pc) =	sbr.rel @p0 .LBB2_1-.Ltmp2, $4  }
0x50: {  	[hbm4b:s12+s19] =	stream.strided.scatter [tilespmem:s16], [sflag:$0x1], $0x2780, s21, s19, $0x38;
	[tilespmem:$0x1AB80] =	vst v63  }
0x51: {  	_ =	swait.ge [sflag:s15], $0x2780  }
0x52: {  	[sflag:s15] =	ssyncset.done $0x0  }
0x53: {  	[sflag:s15] =	ssyncadd.s32 $0xFFFFD880  }
0x54: {  	_ =	sfence.sel $0x180000  }
0x55: {  	[bflag:$0x0] =	sbarrier.arrive $0xFFFF  }
0x56: {  	p0 =	sne.s32 s2, $0x0;
	_ =	strace $0x90000047  }
0x57: {  	s0 =	sadd.s32 @!p0 $0x100000, s0;
	[bflag:$0x2] =	sbarrier.arrive $0xFFFF  }
0x58: {  	[sflag:s0] =	ssyncadd.tile.s32 @!p0 $0x1;
	_ =	shalt  }
.Lfunc_end2:
_tile_overlayer_lowered:
.L_overlay_start_2:
0x59: {  	(tag) =	ssettag $0x2  }
0x5a: {  	s0 =	rddreg [dreg:$0x0];
	s2 =	stileid.u32  }
0x5b: {  	s1 =	rddreg [dreg:$0x1];
	p0 =	sne.s32 s2, $0x0  }
0x5c: {  	s3 =	rddreg [dreg:$0x2];
	[bflag:$0x3] =	sbarrier.arrive $0xFFFF;
	s2 =	simm.s32 @!p0 $0x1C01  }
0x5d: {  	[timem:s3], [sflag:s2] =	dma.local @!p0 [hbm:s0], s1  }
0x5e: {  	s0 =	simm.s32 @!p0 $0x1  }
0x5f: {  	_ =	swait.ge @!p0 [sflag:s0], s1  }
0x60: {  	s1 =	ssub.s32 @!p0 $0x0, s1;
	[sflag:s0] =	ssyncset.done @!p0 $0x0  }
0x61: {  	[sflag:s0] =	ssyncadd.s32 @!p0 s1  }
0x62: {  	[bflag:$0x3] =	sbarrier.arrive $0xFFFF  }
0x63: {  	_ =	shalt  }

// kernel: kernel.9.cloned.1.call-start
scs
__scs_entry_jumppad:
0x0: {  	(pc) =	sbr.rel $0x88, $3  }
0x1: {  	(tag) =	ssettag $0x0;
	lr =	simm.s32 $0x1  }
0x2: {  	[smem:$0x3F99] =	sst lr;
	_ =	strace $0xD0000000  }
0x3: {  	_ = 	snop  }
0x4: {  	_ = 	snop  }
0x5: {  	_ = 	snop  }
0x6: {  	_ = 	snop  }
0x7: {  	_ = 	snop  }
__scs_overlays_trampoline_lowered:
0x8: {  	[smem:$0x3FA8] =	sst s0  }
0x9: {  	[smem:$0x3FA9] =	sst s1  }
0xa: {  	[smem:$0x3FAA] =	sst s2  }
0xb: {  	[smem:$0x3FAB] =	sst s3  }
0xc: {  	[smem:$0x3FAC] =	sst s4  }
0xd: {  	[smem:$0x3FAD] =	sst s5  }
0xe: {  	[smem:$0x3FAE] =	sst s6  }
0xf: {  	[smem:$0x3FAF] =	sst s7  }
0x10: {  	[smem:$0x3FB0] =	sst s8  }
0x11: {  	[smem:$0x3FB1] =	sst s9;
	s0 =	simm.s32 @!p0 $0x0  }
0x12: {  	s1 =	sld [smem:$0x3F97];
	s0 =	simm.s32 @p0 $0x1  }
0x13: {  	[smem:$0x3FB2] =	sst s0;
	s0 =	simm.s32 @!p1 $0x0  }
0x14: {  	s2 =	sld [smem:$0x3F96];
	s0 =	simm.s32 @p1 $0x1  }
0x15: {  	[smem:$0x3FB3] =	sst s0;
	s0 =	simm.s32 @!p2 $0x0  }
0x16: {  	s3 =	sld [smem:$0x3FDB];
	s0 =	simm.s32 @p2 $0x1  }
0x17: {  	s4 =	simm.s32 $0x1BF5;
	[smem:$0x3FB5] =	sst s0  }
0x18: {  	s0 =	sld [smem:$0x3F98];
	_ =	swait.ge [sflag:s4], $0x0  }
0x19: {  	s7 =	sld [smem:$0x3F99]  }
0x1a: {  	s8 =	sadd.s32 $0xFFFFE003, lr  }
0x1b: {  	s9 =	sadd.s32 $0xFFFFFEF7, lr;
	s5 =	simm.s32 $0xFFFFFFFF;
	p2 =	slt.u32 s8, $0xFFFFF086  }
0x1c: {  	p1 =	slt.u32 s9, $0xF7A;
	s5 =	simm.s32 @!p2 $0x0  }
0x1d: {  	s5 =	simm.s32 @p1 $0x1;
	p0 =	seq.s32 s7, s2  }
0x1e: {  	s7 =	smul.u32 @!p0 $0xF7A, s2;
	p2 =	seq.s32 @!p0 s5, $0x0  }
0x1f: {  	s9 =	smul.u32 $0xF7A, s1;
	s8 =	simm.s32 @!p0 $0x1BF5;
	p2 =	por !p2, p0  }
0x20: {  	[sflag:s8] =	ssyncset.s32 @!p0 $0xFFFFF086;
	s6 =	sadd.s32 @!p0 s3, s7;
	s7 =	simm.s32 @!p0 $0x108  }
0x21: {  	s3 =	sadd.s32 s3, s9;
	s6 =	sadd.s32 @!p0 $0x88, s6;
	s7 =	simm.s32 @p2 $0x1082  }
0x22: {  	[simem:s7], [sflag:s8] =	dma.local @!p0 [hbm:s6], $0xF7A  }
0x23: {  	s9 =	sor.u32 $0xD0000000, s2;
	s6 =	simm.s32 $0x108;
	_ =	swait.ge @!p0 [sflag:s8], $0x0  }
0x24: {  	s3 =	sadd.s32 $0x88, s3;
	s6 =	simm.s32 @!p1 $0x1082;
	[sflag:s4] =	ssyncset.s32 $0xFFFFF086  }
0x25: {  	[simem:s6], [sflag:s4] =	dma.local [hbm:s3], $0xF7A  }
0x26: {  	[smem:$0x3F99] =	sst s1;
	(tag) =	ssettag s2;
	_ =	strace s9  }
0x27: {  	s1 =	sld [smem:$0x3FA9]  }
0x28: {  	s2 =	sld [smem:$0x3FAA]  }
0x29: {  	s4 =	sld [smem:$0x3FAC]  }
0x2a: {  	p0 =	seq.s32 s5, $0x0;
	s5 =	sld [smem:$0x3FAD]  }
0x2b: {  	s6 =	sld [smem:$0x3FAE]  }
0x2c: {  	s7 =	sld [smem:$0x3FAF]  }
0x2d: {  	s3 =	simm.s32 $0x108;
	s8 =	sld [smem:$0x3FB0]  }
0x2e: {  	s3 =	simm.s32 @!p0 $0x1082;
	s9 =	sld [smem:$0x3FB1]  }
0x2f: {  	lr =	sadd.s32 s0, s3;
	s0 =	sld [smem:$0x3FA8]  }
0x30: {  	s3 =	sld [smem:$0x3FAB]  }
0x31: {  	[smem:$0x3FB4] =	sst s10  }
0x32: {  	s10 =	sld [smem:$0x3FB2];
	_ =	sdelay $0x3  }
0x33: {  	p0 =	seq.s32 s10, $0x1;
	s10 =	sld [smem:$0x3FB4];
	_ =	sdelay $0x3  }
0x34: {  	[smem:$0x3FB4] =	sst s10  }
0x35: {  	s10 =	sld [smem:$0x3FB3];
	_ =	sdelay $0x3  }
0x36: {  	p1 =	seq.s32 s10, $0x1;
	s10 =	sld [smem:$0x3FB4];
	_ =	sdelay $0x3  }
0x37: {  	[smem:$0x3FB4] =	sst s10  }
0x38: {  	s10 =	sld [smem:$0x3FB5]  }
0x39: {  	_ = 	snop;
	(pc) =	sbr.ind lr, $3  }
0x3a: {  	_ = 	snop  }
0x3b: {  	_ = 	snop  }
0x3c: {  	p2 =	seq.s32 s10, $0x1;
	s10 =	sld [smem:$0x3FB4]  }
0x3d: {  	_ =	shalt  }
0x3e: {  	_ =	shalt  }
0x3f: {  	_ =	shalt  }
0x40: {  	_ =	shalt  }
0x41: {  	_ =	shalt  }
0x42: {  	_ =	shalt  }
0x43: {  	_ =	shalt  }
0x44: {  	_ =	shalt  }
0x45: {  	_ =	shalt  }
0x46: {  	_ =	shalt  }
0x47: {  	_ =	shalt  }
0x48: {  	_ =	shalt  }
0x49: {  	_ =	shalt  }
0x4a: {  	_ =	shalt  }
0x4b: {  	_ =	shalt  }
0x4c: {  	_ =	shalt  }
0x4d: {  	_ =	shalt  }
0x4e: {  	_ =	shalt  }
0x4f: {  	_ =	shalt  }
0x50: {  	_ =	shalt  }
0x51: {  	_ =	shalt  }
0x52: {  	_ =	shalt  }
0x53: {  	_ =	shalt  }
0x54: {  	_ =	shalt  }
0x55: {  	_ =	shalt  }
0x56: {  	_ =	shalt  }
0x57: {  	_ =	shalt  }
0x58: {  	_ =	shalt  }
0x59: {  	_ =	shalt  }
0x5a: {  	_ =	shalt  }
0x5b: {  	_ =	shalt  }
0x5c: {  	_ =	shalt  }
0x5d: {  	_ =	shalt  }
0x5e: {  	_ =	shalt  }
0x5f: {  	_ =	shalt  }
0x60: {  	_ =	shalt  }
0x61: {  	_ =	shalt  }
0x62: {  	_ =	shalt  }
0x63: {  	_ =	shalt  }
0x64: {  	_ =	shalt  }
0x65: {  	_ =	shalt  }
0x66: {  	_ =	shalt  }
0x67: {  	_ =	shalt  }
0x68: {  	_ =	shalt  }
0x69: {  	_ =	shalt  }
0x6a: {  	_ =	shalt  }
0x6b: {  	_ =	shalt  }
0x6c: {  	_ =	shalt  }
0x6d: {  	_ =	shalt  }
0x6e: {  	_ =	shalt  }
0x6f: {  	_ =	shalt  }
0x70: {  	_ =	shalt  }
0x71: {  	_ =	shalt  }
0x72: {  	_ =	shalt  }
0x73: {  	_ =	shalt  }
0x74: {  	_ =	shalt  }
0x75: {  	_ =	shalt  }
0x76: {  	_ =	shalt  }
0x77: {  	_ =	shalt  }
0x78: {  	_ =	shalt  }
0x79: {  	_ =	shalt  }
0x7a: {  	_ =	shalt  }
0x7b: {  	_ =	shalt  }
0x7c: {  	_ =	shalt  }
0x7d: {  	_ =	shalt  }
0x7e: {  	_ =	shalt  }
0x7f: {  	_ =	shalt  }
0x80: {  	_ =	shalt  }
0x81: {  	_ =	shalt  }
0x82: {  	_ =	shalt  }
0x83: {  	_ =	shalt  }
0x84: {  	_ =	shalt  }
0x85: {  	_ =	shalt  }
0x86: {  	_ =	shalt  }
0x87: {  	_ =	shalt  }
.Lfunc_end0:
.L_simem_size_0:
called_computation.1_lowered:
.L_overlay_start_0:
0x88: {  	s2 =	sld [smem:$0x3FD9]  }
0x89: {  	s3 =	sld [smem:$0x3FFE];
	_ =	sdelay $0x1  }
0x8a: {  	s1 =	srdreg.scid  }
0x8b: {  	s0 =	sand.u32 $0x1, s1  }
0x8c: {  	s17 =	sshll.u32 s0, $0xA;
	s2 =	sadd.s32 s3, s2  }
0x8d: {  	s2 =	sadd.s32 s2, s17  }
0x8e: {  	[smem:$0x3FC0] =	sst s2  }
0x8f: {  	_ = 	snop  }
0x90: {  	s2 =	sld [smem:$0x3FD0];
	(tm) =	ssettm $0x1  }
0x91: {  	s18 =	sld [smem:$0x3FFB];
	_ =	sdelay $0x3  }
0x92: {  	_ =	strace s18  }
0x93: {  	s3 =	sld [smem:$0x3FFC];
	_ =	sdelay $0x3  }
0x94: {  	_ =	strace s3  }
0x95: {  	s3 =	sld [smem:$0x3FFD];
	_ =	sdelay $0x3  }
0x96: {  	_ =	strace s3  }
0x97: {  	_ =	strace $0x8FFFFFFF  }
0x98: {  	s19 =	sld [smem:$0x3FDB];
	_ =	sdelay $0x1  }
0x99: {  	s4 =	simm.s32 $_scs_section_size  }
0x9a: {  	s5 =	simm.s32 $_size__tile_overlayer_lowered;
	s6 =	simm.s32 $_tile_overlayer_lowered  }
0x9b: {  	s22 =	simm.s32 $0x1BFF;
	s21 =	sshll.u32 s6, $0x1;
	s3 =	sadd.s32 s4, s19  }
0x9c: {  	s7 =	simm.s32 $0x0;
	s20 =	sshll.u32 s5, $0x1;
	s5 =	sadd.s32 s21, s3  }
0x9d: {  	[timem:s7], [sflag:s22] =	dma.local [hbm:s5], s20  }
0x9e: {  	_ =	swait.ge [sflag:s22], s20  }
0x9f: {  	s4 =	ssub.s32 $0x0, s20;
	[sflag:s22] =	ssyncset.done $0x0  }
0xa0: {  	[sflag:s22] =	ssyncadd.s32 s4;
	_ =	sdelay $0x1  }
0xa1: {  	s23 =	simm.s32 $0x1B8B  }
0xa2: {  	_ =	swait.ge [sflag:s23], $0x1  }
0xa3: {  	[sflag:s23] =	ssyncset.done $0x0  }
0xa4: {  	s25 =	simm.s32 $0x1B8E;
	s24 =	sld [smem:$0x3FFE];
	[sflag:s23] =	ssyncadd.s32 $0xFFFFFFFF  }
0xa5: {  	s26 =	simm.s32 $execute0_lowered;
	[smem:$0x3FD2] =	sst s25  }
0xa6: {  	s5 =	sshll.u32 s26, $0x1;
	_ =	strace $0x80000049;
	[dreg:$0x1] =	wrdreg $0xFFFFFFFF  }
0xa7: {  	s28 =	simm.s32 $_size_execute0_lowered;
	s3 =	sadd.s32 s3, s5;
	[dreg:$0x0] =	wrdreg $0x0  }
0xa8: {  	s5 =	sshll.u32 s28, $0x1;
	[dreg:$0x2] =	wrdreg s3  }
0xa9: {  	[dreg:$0x3] =	wrdreg s5  }
0xaa: {  	[dreg:$0x4] =	wrdreg $0xC0  }
0xab: {  	_ =	task [dreg:s7], $0x5FFFF  }
0xac: {  	[dreg:$0x1] =	wrdreg $0xFFFFFFFF  }
0xad: {  	[dreg:$0x0] =	wrdreg $0x60  }
0xae: {  	[dreg:$0x2] =	wrdreg s2  }
0xaf: {  	[dreg:$0x3] =	wrdreg s24  }
0xb0: {  	[dreg:$0x4] =	wrdreg $0x0  }
0xb1: {  	[dreg:$0x5] =	wrdreg $0x9  }
0xb2: {  	_ =	task.clear_ibuf [dreg:s7], $0x6FFFF;
	_ =	strace $0x90000049  }
0xb3: {  	s29 =	simm.s32 $0x9;
	_ =	strace $0x8000004B  }
0xb4: {  	_ =	swait.ge [sflag:s29], $0x1  }
0xb5: {  	[sflag:s29] =	ssyncadd.s32 $0xFFFFFFFF  }
0xb6: {  	_ =	strace $0x9000004B  }
0xb7: {  	_ =	sfence  }
0xb8: {  	s30 =	sld [smem:$0x0];
	_ =	sdelay $0x2  }
0xb9: {  	s31 =	sshll.u32 s1, $0xD;
	s1 =	sshrl.u32 s1, $0x2  }
0xba: {  	s3 =	sand.u32 $0x4000, s31;
	s1 =	sadd.s32 s1, s30  }
0xbb: {  	s0 =	sor.u32 s3, s0;
	s1 =	sshll.u32 s1, $0x11  }
0xbc: {  	s0 =	sor.u32 s1, s0  }
0xbd: {  	s0 =	sadd.s32 $0x8F2B, s0  }
0xbe: {  	[sflag:s0] =	ssyncadd.remote.s32 $0x1  }
0xbf: {  	_ =	sfence.sel $0xFFFF  }
0xc0: {  	[dreg:$0x0] =	wrdreg $0xFFFFFFFF;
	(pc) =	sbr.abs _section_cstart, $3  }
0xc1: {  	[dreg:$0x1] =	wrdreg $0xFFFFFFFF  }
0xc2: {  	_ =	task.clear_ibuf [dreg:s7], $0x2FFFF;
	_ =	strace $0x9FFFFFFF  }
0xc3: {  	(tm) =	ssettm $0x7FFFFFFF  }
tec
execute0_lowered:
.L_overlay_start_1:
0x0: {  	(tag) =	ssettag $0x1  }
0x1: {  	s1 =	rddreg [dreg:$0x0]  }
0x2: {  	s0 =	srdreg.scid;
	s2 =	rddreg [dreg:$0x1]  }
0x3: {  	s9 =	stileid.u32;
	s3 =	rddreg [dreg:$0x2]  }
0x4: {  	s4 =	simm.s32 $0x0;
	s12 =	simm.s32 $0x1;
	s13 =	simm.s32 $0x13C00  }
0x5: {  	s14 =	simm.s32 $0x14000;
	s15 =	simm.s32 $0x80;
	s16 =	simm.s32 $0x14400  }
0x6: {  	s17 =	simm.s32 $0x13C80;
	s18 =	simm.s32 $0x14080;
	s19 =	simm.s32 $0x13D00  }
0x7: {  	s20 =	simm.s32 $0x14100;
	s21 =	simm.s32 $0x13D80;
	s6 =	smul.u32 $0x2800, s9  }
0x8: {  	s22 =	simm.s32 $0x14180;
	s28 =	simm.s32 $0x13F00;
	s23 =	smul.u32 $0x13C00, s9  }
0x9: {  	s29 =	simm.s32 $0x14300;
	s0 =	sand.u32 $0x1, s0;
	s24 =	smul.u32 $0x4F000, s9  }
0xa: {  	s30 =	simm.s32 $0x13F80;
	s31 =	simm.s32 $0x14380;
	s5 =	smul.u32 $0x28000, s0  }
0xb: {  	[smem:$0x7FF] =	sst s4;
	s26 =	sshll.u32 s9, $0x6;
	s7 =	smul.u32 $0x13C000, s0  }
0xc: {  	_ =	strace $0x8000004A;
	s0 =	ssub.s32 $0x2, s0;
	s8 =	sshrl.u32 s23, $0x3  }
0xd: {  	s25 =	sshrl.u32 s0, $0x1;
	s5 =	sadd.s32 s6, s5;
	s6 =	sadd.s32 s23, s7  }
0xe: {  	s8 =	sadd.s32 s8, s2;
	s7 =	sshrl.u32 s24, $0x2;
	s0 =	ssub.s32 s0, s25  }
0xf: {  	s23 =	simm.s32 $0x13E00;
	s24 =	simm.s32 $0x14200;
	s25 =	simm.s32 $0x13E80  }
0x10: {  	s5 =	sshrl.u32 s5, $0x3;
	s6 =	sshrl.u32 s6, $0x3;
	s7 =	sadd.s32 s7, s3  }
0x11: {  	s8 =	sadd.s32 $0x16000, s8;
	s0 =	smax.u32 s0, $0x1;
	s5 =	sadd.s32 s5, s2  }
0x12: {  	s2 =	sadd.s32 s6, s2;
	[dreg:$0x4] =	wrdreg s8;
	s6 =	sor.u32 $0x1C01, s26  }
0x13: {  	[dreg:$0x6] =	wrdreg s0;
	s2 =	sadd.s32 $0x3D800, s2;
	s9 =	sadd.s32 $0x1A00, s5  }
0x14: {  	s10 =	sadd.s32 $0xBA00, s5;
	s5 =	sshrl.u32 s7, $0x3;
	[dreg:$0x5] =	wrdreg s2  }
0x15: {  	s26 =	simm.s32 $0x14280;
	s2 =	simm.s32 $0x0;
	[dreg:$0x7] =	wrdreg s5  }
.LBB2_1:
0x16: {  	s0 =	rddreg [dreg:$0x4]  }
0x17: {  	[spmem:s5], [sflag:s6] =	dma.local [hbm:s0], $0x2780  }
0x18: {  	_ =	swait.ge [sflag:s12], $0x2780  }
0x19: {  	[sflag:s12] =	ssyncset.done $0x0  }
0x1a: {  	[sflag:s12] =	ssyncadd.s32 $0xFFFFD880  }
0x1b: {  	s7 =	sadd.s32 $0x0, s10;
	[bflag:$0x0] =	sbarrier.arrive $0xFFFF  }
0x1c: {  	[tilespmem:s13], [sflag:$0x1] =	stream.linear.gather [hbm4b:s7+s4], $0x400, $0x38;
	[tilespmem:$0x18400] =	vst v63  }
0x1d: {  	_ =	swait.ge [sflag:s12], $0x400  }
0x1e: {  	[sflag:s12] =	ssyncset.done $0x0  }
0x1f: {  	s8 =	sadd.s32 $0x0, s9;
	[sflag:s12] =	ssyncadd.s32 $0xFFFFFC00  }
0x20: {  	[tilespmem:s14], [sflag:$0x1] =	stream.linear.gather [hbm4b:s8+s4], $0x400, $0x38;
	[tilespmem:$0x18400] =	vst v63  }
0x21: {  	_ =	swait.ge [sflag:s12], $0x400  }
0x22: {  	[sflag:s12] =	ssyncset.done $0x0  }
0x23: {  	[sflag:s12] =	ssyncadd.s32 $0xFFFFFC00  }
0x24: {  	[tilespmem:s16], [sflag:$0x1] =	stream.indirect.gather [hbm4b:s1+s15], $0x80, s13, s15, $0xb8;
	[tilespmem:$0x18400] =	vst v63  }
0x25: {  	_ =	swait.ge [sflag:s12], $0x4000  }
0x26: {  	[sflag:s12] =	ssyncset.done $0x0  }
0x27: {  	[sflag:s12] =	ssyncadd.s32 $0xFFFFC000  }
0x28: {  	[spmem:s3] =	stream.indirect.scatter.add.f32 [tilespmem:s16], [sflag:$0x1], $0x80, s14, s15, $0xb8;
	[tilespmem:$0x18400] =	vst v63  }
0x29: {  	_ =	swait.ge [sflag:s12], $0x4000  }
0x2a: {  	[sflag:s12] =	ssyncset.done $0x0  }
0x2b: {  	[sflag:s12] =	ssyncadd.s32 $0xFFFFC000  }
0x2c: {  	[tilespmem:s16], [sflag:$0x1] =	stream.indirect.gather [hbm4b:s1+s15], $0x80, s17, s15, $0xb8;
	[tilespmem:$0x18400] =	vst v63  }
0x2d: {  	_ =	swait.ge [sflag:s12], $0x4000  }
0x2e: {  	[sflag:s12] =	ssyncset.done $0x0  }
0x2f: {  	[sflag:s12] =	ssyncadd.s32 $0xFFFFC000  }
0x30: {  	[spmem:s3] =	stream.indirect.scatter.add.f32 [tilespmem:s16], [sflag:$0x1], $0x80, s18, s15, $0xb8;
	[tilespmem:$0x18400] =	vst v63  }
0x31: {  	_ =	swait.ge [sflag:s12], $0x4000  }
0x32: {  	[sflag:s12] =	ssyncset.done $0x0  }
0x33: {  	[sflag:s12] =	ssyncadd.s32 $0xFFFFC000  }
0x34: {  	[tilespmem:s16], [sflag:$0x1] =	stream.indirect.gather [hbm4b:s1+s15], $0x80, s19, s15, $0xb8;
	[tilespmem:$0x18400] =	vst v63  }
0x35: {  	_ =	swait.ge [sflag:s12], $0x4000  }
0x36: {  	[sflag:s12] =	ssyncset.done $0x0  }
0x37: {  	[sflag:s12] =	ssyncadd.s32 $0xFFFFC000  }
0x38: {  	[spmem:s3] =	stream.indirect.scatter.add.f32 [tilespmem:s16], [sflag:$0x1], $0x80, s20, s15, $0xb8;
	[tilespmem:$0x18400] =	vst v63  }
0x39: {  	_ =	swait.ge [sflag:s12], $0x4000  }
0x3a: {  	[sflag:s12] =	ssyncset.done $0x0  }
0x3b: {  	[sflag:s12] =	ssyncadd.s32 $0xFFFFC000  }
0x3c: {  	[tilespmem:s16], [sflag:$0x1] =	stream.indirect.gather [hbm4b:s1+s15], $0x80, s21, s15, $0xb8;
	[tilespmem:$0x18400] =	vst v63  }
0x3d: {  	_ =	swait.ge [sflag:s12], $0x4000  }
0x3e: {  	[sflag:s12] =	ssyncset.done $0x0  }
0x3f: {  	[sflag:s12] =	ssyncadd.s32 $0xFFFFC000  }
0x40: {  	[spmem:s3] =	stream.indirect.scatter.add.f32 [tilespmem:s16], [sflag:$0x1], $0x80, s22, s15, $0xb8;
	[tilespmem:$0x18400] =	vst v63  }
0x41: {  	_ =	swait.ge [sflag:s12], $0x4000  }
0x42: {  	[sflag:s12] =	ssyncset.done $0x0  }
0x43: {  	[sflag:s12] =	ssyncadd.s32 $0xFFFFC000  }
0x44: {  	[tilespmem:s16], [sflag:$0x1] =	stream.indirect.gather [hbm4b:s1+s15], $0x80, s23, s15, $0xb8;
	[tilespmem:$0x18400] =	vst v63  }
0x45: {  	_ =	swait.ge [sflag:s12], $0x4000  }
0x46: {  	[sflag:s12] =	ssyncset.done $0x0  }
0x47: {  	[sflag:s12] =	ssyncadd.s32 $0xFFFFC000  }
0x48: {  	[spmem:s3] =	stream.indirect.scatter.add.f32 [tilespmem:s16], [sflag:$0x1], $0x80, s24, s15, $0xb8;
	[tilespmem:$0x18400] =	vst v63  }
0x49: {  	_ =	swait.ge [sflag:s12], $0x4000  }
0x4a: {  	[sflag:s12] =	ssyncset.done $0x0  }
0x4b: {  	[sflag:s12] =	ssyncadd.s32 $0xFFFFC000  }
0x4c: {  	[tilespmem:s16], [sflag:$0x1] =	stream.indirect.gather [hbm4b:s1+s15], $0x80, s25, s15, $0xb8;
	[tilespmem:$0x18400] =	vst v63  }
0x4d: {  	_ =	swait.ge [sflag:s12], $0x4000  }
0x4e: {  	[sflag:s12] =	ssyncset.done $0x0  }
0x4f: {  	[sflag:s12] =	ssyncadd.s32 $0xFFFFC000  }
0x50: {  	[spmem:s3] =	stream.indirect.scatter.add.f32 [tilespmem:s16], [sflag:$0x1], $0x80, s26, s15, $0xb8;
	[tilespmem:$0x18400] =	vst v63  }
0x51: {  	_ =	swait.ge [sflag:s12], $0x4000  }
0x52: {  	[sflag:s12] =	ssyncset.done $0x0  }
0x53: {  	[sflag:s12] =	ssyncadd.s32 $0xFFFFC000  }
0x54: {  	[tilespmem:s16], [sflag:$0x1] =	stream.indirect.gather [hbm4b:s1+s15], $0x80, s28, s15, $0xb8;
	[tilespmem:$0x18400] =	vst v63  }
0x55: {  	_ =	swait.ge [sflag:s12], $0x4000  }
0x56: {  	[sflag:s12] =	ssyncset.done $0x0  }
0x57: {  	[sflag:s12] =	ssyncadd.s32 $0xFFFFC000  }
0x58: {  	[spmem:s3] =	stream.indirect.scatter.add.f32 [tilespmem:s16], [sflag:$0x1], $0x80, s29, s15, $0xb8;
	[tilespmem:$0x18400] =	vst v63  }
0x59: {  	_ =	swait.ge [sflag:s12], $0x4000  }
0x5a: {  	[sflag:s12] =	ssyncset.done $0x0  }
0x5b: {  	[sflag:s12] =	ssyncadd.s32 $0xFFFFC000  }
0x5c: {  	[tilespmem:s16], [sflag:$0x1] =	stream.indirect.gather [hbm4b:s1+s15], $0x80, s30, s15, $0xb8;
	[tilespmem:$0x18400] =	vst v63  }
0x5d: {  	_ =	swait.ge [sflag:s12], $0x4000  }
0x5e: {  	[sflag:s12] =	ssyncset.done $0x0  }
0x5f: {  	[sflag:s12] =	ssyncadd.s32 $0xFFFFC000  }
0x60: {  	[spmem:s3] =	stream.indirect.scatter.add.f32 [tilespmem:s16], [sflag:$0x1], $0x80, s31, s15, $0xb8;
	[tilespmem:$0x18400] =	vst v63  }
0x61: {  	s11 =	smov.u32 s6;
	_ =	swait.ge [sflag:s12], $0x4000  }
0x62: {  	s0 =	simm.s32 $0x80;
	s5 =	simm.s32 $0x100;
	[sflag:s12] =	ssyncset.done $0x0  }
.LBB2_2:
0x63: {  	s8 =	sadd.s32 s0, s10  }
0x64: {  	[sflag:s12] =	ssyncadd.s32 $0xFFFFC000;
	s6 =	smov.u32 s5;
	s7 =	sadd.s32 $0x80, s5  }
0x65: {  	[tilespmem:s13], [sflag:$0x1] =	stream.linear.gather [hbm4b:s8+s4], $0x400, $0x38;
	[tilespmem:$0x18400] =	vst v63  }
0x66: {  	p0 =	sne.s32 s5, $0x480;
	_ =	swait.ge [sflag:s12], $0x400  }
0x67: {  	[sflag:s12] =	ssyncset.done $0x0  }
0x68: {  	s5 =	sadd.s32 s0, s9;
	s0 =	smov.u32 s6;
	[sflag:s12] =	ssyncadd.s32 $0xFFFFFC00  }
0x69: {  	[tilespmem:s14], [sflag:$0x1] =	stream.linear.gather [hbm4b:s5+s4], $0x400, $0x38;
	[tilespmem:$0x18400] =	vst v63  }
0x6a: {  	_ =	swait.ge [sflag:s12], $0x400  }
0x6b: {  	[sflag:s12] =	ssyncset.done $0x0  }
0x6c: {  	[sflag:s12] =	ssyncadd.s32 $0xFFFFFC00  }
0x6d: {  	[tilespmem:s16], [sflag:$0x1] =	stream.indirect.gather [hbm4b:s1+s15], $0x80, s13, s15, $0xb8;
	[tilespmem:$0x18400] =	vst v63  }
0x6e: {  	_ =	swait.ge [sflag:s12], $0x4000  }
0x6f: {  	[sflag:s12] =	ssyncset.done $0x0  }
0x70: {  	[sflag:s12] =	ssyncadd.s32 $0xFFFFC000  }
0x71: {  	[spmem:s3] =	stream.indirect.scatter.add.f32 [tilespmem:s16], [sflag:$0x1], $0x80, s14, s15, $0xb8;
	[tilespmem:$0x18400] =	vst v63  }
0x72: {  	_ =	swait.ge [sflag:s12], $0x4000  }
0x73: {  	[sflag:s12] =	ssyncset.done $0x0  }
0x74: {  	[sflag:s12] =	ssyncadd.s32 $0xFFFFC000  }
0x75: {  	[tilespmem:s16], [sflag:$0x1] =	stream.indirect.gather [hbm4b:s1+s15], $0x80, s17, s15, $0xb8;
	[tilespmem:$0x18400] =	vst v63  }
0x76: {  	_ =	swait.ge [sflag:s12], $0x4000  }
0x77: {  	[sflag:s12] =	ssyncset.done $0x0  }
0x78: {  	[sflag:s12] =	ssyncadd.s32 $0xFFFFC000  }
0x79: {  	[spmem:s3] =	stream.indirect.scatter.add.f32 [tilespmem:s16], [sflag:$0x1], $0x80, s18, s15, $0xb8;
	[tilespmem:$0x18400] =	vst v63  }
0x7a: {  	_ =	swait.ge [sflag:s12], $0x4000  }
0x7b: {  	[sflag:s12] =	ssyncset.done $0x0  }
0x7c: {  	[sflag:s12] =	ssyncadd.s32 $0xFFFFC000  }
0x7d: {  	[tilespmem:s16], [sflag:$0x1] =	stream.indirect.gather [hbm4b:s1+s15], $0x80, s19, s15, $0xb8;
	[tilespmem:$0x18400] =	vst v63  }
0x7e: {  	_ =	swait.ge [sflag:s12], $0x4000  }
0x7f: {  	[sflag:s12] =	ssyncset.done $0x0  }
0x80: {  	[sflag:s12] =	ssyncadd.s32 $0xFFFFC000  }
0x81: {  	[spmem:s3] =	stream.indirect.scatter.add.f32 [tilespmem:s16], [sflag:$0x1], $0x80, s20, s15, $0xb8;
	[tilespmem:$0x18400] =	vst v63  }
0x82: {  	_ =	swait.ge [sflag:s12], $0x4000  }
0x83: {  	[sflag:s12] =	ssyncset.done $0x0  }
0x84: {  	[sflag:s12] =	ssyncadd.s32 $0xFFFFC000  }
0x85: {  	[tilespmem:s16], [sflag:$0x1] =	stream.indirect.gather [hbm4b:s1+s15], $0x80, s21, s15, $0xb8;
	[tilespmem:$0x18400] =	vst v63  }
0x86: {  	_ =	swait.ge [sflag:s12], $0x4000  }
0x87: {  	[sflag:s12] =	ssyncset.done $0x0  }
0x88: {  	[sflag:s12] =	ssyncadd.s32 $0xFFFFC000  }
0x89: {  	[spmem:s3] =	stream.indirect.scatter.add.f32 [tilespmem:s16], [sflag:$0x1], $0x80, s22, s15, $0xb8;
	[tilespmem:$0x18400] =	vst v63  }
0x8a: {  	_ =	swait.ge [sflag:s12], $0x4000  }
0x8b: {  	[sflag:s12] =	ssyncset.done $0x0  }
0x8c: {  	[sflag:s12] =	ssyncadd.s32 $0xFFFFC000  }
0x8d: {  	[tilespmem:s16], [sflag:$0x1] =	stream.indirect.gather [hbm4b:s1+s15], $0x80, s23, s15, $0xb8;
	[tilespmem:$0x18400] =	vst v63  }
0x8e: {  	_ =	swait.ge [sflag:s12], $0x4000  }
0x8f: {  	[sflag:s12] =	ssyncset.done $0x0  }
0x90: {  	[sflag:s12] =	ssyncadd.s32 $0xFFFFC000  }
0x91: {  	[spmem:s3] =	stream.indirect.scatter.add.f32 [tilespmem:s16], [sflag:$0x1], $0x80, s24, s15, $0xb8;
	[tilespmem:$0x18400] =	vst v63  }
0x92: {  	_ =	swait.ge [sflag:s12], $0x4000  }
0x93: {  	[sflag:s12] =	ssyncset.done $0x0  }
0x94: {  	[sflag:s12] =	ssyncadd.s32 $0xFFFFC000  }
0x95: {  	[tilespmem:s16], [sflag:$0x1] =	stream.indirect.gather [hbm4b:s1+s15], $0x80, s25, s15, $0xb8;
	[tilespmem:$0x18400] =	vst v63  }
0x96: {  	_ =	swait.ge [sflag:s12], $0x4000  }
0x97: {  	[sflag:s12] =	ssyncset.done $0x0  }
0x98: {  	[sflag:s12] =	ssyncadd.s32 $0xFFFFC000  }
0x99: {  	[spmem:s3] =	stream.indirect.scatter.add.f32 [tilespmem:s16], [sflag:$0x1], $0x80, s26, s15, $0xb8;
	[tilespmem:$0x18400] =	vst v63  }
0x9a: {  	_ =	swait.ge [sflag:s12], $0x4000  }
0x9b: {  	[sflag:s12] =	ssyncset.done $0x0  }
0x9c: {  	[sflag:s12] =	ssyncadd.s32 $0xFFFFC000  }
0x9d: {  	[tilespmem:s16], [sflag:$0x1] =	stream.indirect.gather [hbm4b:s1+s15], $0x80, s28, s15, $0xb8;
	[tilespmem:$0x18400] =	vst v63  }
0x9e: {  	_ =	swait.ge [sflag:s12], $0x4000  }
0x9f: {  	[sflag:s12] =	ssyncset.done $0x0  }
0xa0: {  	[sflag:s12] =	ssyncadd.s32 $0xFFFFC000  }
0xa1: {  	[spmem:s3] =	stream.indirect.scatter.add.f32 [tilespmem:s16], [sflag:$0x1], $0x80, s29, s15, $0xb8;
	[tilespmem:$0x18400] =	vst v63  }
0xa2: {  	_ =	swait.ge [sflag:s12], $0x4000  }
0xa3: {  	[sflag:s12] =	ssyncset.done $0x0  }
0xa4: {  	[sflag:s12] =	ssyncadd.s32 $0xFFFFC000  }
0xa5: {  	[tilespmem:s16], [sflag:$0x1] =	stream.indirect.gather [hbm4b:s1+s15], $0x80, s30, s15, $0xb8;
	[tilespmem:$0x18400] =	vst v63  }
0xa6: {  	_ =	swait.ge [sflag:s12], $0x4000  }
.Ltmp0:
0xa7: {  	[sflag:s12] =	ssyncset.done $0x0;
	(pc) =	sbr.rel @p0 .LBB2_2-.Ltmp0, $4  }
0xa8: {  	[sflag:s12] =	ssyncadd.s32 $0xFFFFC000  }
0xa9: {  	[spmem:s3] =	stream.indirect.scatter.add.f32 [tilespmem:s16], [sflag:$0x1], $0x80, s31, s15, $0xb8;
	[tilespmem:$0x18400] =	vst v63  }
0xaa: {  	_ =	swait.ge [sflag:s12], $0x4000  }
0xab: {  	s5 =	smov.u32 s7;
	[sflag:s12] =	ssyncset.done $0x0  }
0xac: {  	s5 =	sadd.s32 s0, s10;
	[sflag:s12] =	ssyncadd.s32 $0xFFFFC000  }
0xad: {  	[tilespmem:s13], [sflag:$0x1] =	stream.linear.gather [hbm4b:s5+s4], $0x400, $0x38;
	[tilespmem:$0x18400] =	vst v63  }
0xae: {  	_ =	swait.ge [sflag:s12], $0x400  }
0xaf: {  	[sflag:s12] =	ssyncset.done $0x0  }
0xb0: {  	s7 =	sadd.s32 s0, s9;
	[sflag:s12] =	ssyncadd.s32 $0xFFFFFC00  }
0xb1: {  	[tilespmem:s14], [sflag:$0x1] =	stream.linear.gather [hbm4b:s7+s4], $0x400, $0x38;
	[tilespmem:$0x18400] =	vst v63  }
0xb2: {  	_ =	swait.ge [sflag:s12], $0x400  }
0xb3: {  	[sflag:s12] =	ssyncset.done $0x0  }
0xb4: {  	[sflag:s12] =	ssyncadd.s32 $0xFFFFFC00  }
0xb5: {  	[tilespmem:s16], [sflag:$0x1] =	stream.indirect.gather [hbm4b:s1+s15], $0x80, s13, s15, $0xb8;
	[tilespmem:$0x18400] =	vst v63  }
0xb6: {  	_ =	swait.ge [sflag:s12], $0x4000  }
0xb7: {  	[sflag:s12] =	ssyncset.done $0x0  }
0xb8: {  	[sflag:s12] =	ssyncadd.s32 $0xFFFFC000  }
0xb9: {  	[spmem:s3] =	stream.indirect.scatter.add.f32 [tilespmem:s16], [sflag:$0x1], $0x80, s14, s15, $0xb8;
	[tilespmem:$0x18400] =	vst v63  }
0xba: {  	_ =	swait.ge [sflag:s12], $0x4000  }
0xbb: {  	[sflag:s12] =	ssyncset.done $0x0  }
0xbc: {  	[sflag:s12] =	ssyncadd.s32 $0xFFFFC000  }
0xbd: {  	[tilespmem:s16], [sflag:$0x1] =	stream.indirect.gather [hbm4b:s1+s15], $0x80, s17, s15, $0xb8;
	[tilespmem:$0x18400] =	vst v63  }
0xbe: {  	_ =	swait.ge [sflag:s12], $0x4000  }
0xbf: {  	[sflag:s12] =	ssyncset.done $0x0  }
0xc0: {  	[sflag:s12] =	ssyncadd.s32 $0xFFFFC000  }
0xc1: {  	[spmem:s3] =	stream.indirect.scatter.add.f32 [tilespmem:s16], [sflag:$0x1], $0x80, s18, s15, $0xb8;
	[tilespmem:$0x18400] =	vst v63  }
0xc2: {  	_ =	swait.ge [sflag:s12], $0x4000  }
0xc3: {  	[sflag:s12] =	ssyncset.done $0x0  }
0xc4: {  	[sflag:s12] =	ssyncadd.s32 $0xFFFFC000  }
0xc5: {  	[tilespmem:s16], [sflag:$0x1] =	stream.indirect.gather [hbm4b:s1+s15], $0x80, s19, s15, $0xb8;
	[tilespmem:$0x18400] =	vst v63  }
0xc6: {  	_ =	swait.ge [sflag:s12], $0x4000  }
0xc7: {  	[sflag:s12] =	ssyncset.done $0x0  }
0xc8: {  	[sflag:s12] =	ssyncadd.s32 $0xFFFFC000  }
0xc9: {  	[spmem:s3] =	stream.indirect.scatter.add.f32 [tilespmem:s16], [sflag:$0x1], $0x80, s20, s15, $0xb8;
	[tilespmem:$0x18400] =	vst v63  }
0xca: {  	_ =	swait.ge [sflag:s12], $0x4000  }
0xcb: {  	[sflag:s12] =	ssyncset.done $0x0  }
0xcc: {  	[sflag:s12] =	ssyncadd.s32 $0xFFFFC000  }
0xcd: {  	[tilespmem:s16], [sflag:$0x1] =	stream.indirect.gather [hbm4b:s1+s15], $0x80, s21, s15, $0xb8;
	[tilespmem:$0x18400] =	vst v63  }
0xce: {  	_ =	swait.ge [sflag:s12], $0x4000  }
0xcf: {  	[sflag:s12] =	ssyncset.done $0x0  }
0xd0: {  	[sflag:s12] =	ssyncadd.s32 $0xFFFFC000  }
0xd1: {  	[spmem:s3] =	stream.indirect.scatter.add.f32 [tilespmem:s16], [sflag:$0x1], $0x80, s22, s15, $0xb8;
	[tilespmem:$0x18400] =	vst v63  }
0xd2: {  	_ =	swait.ge [sflag:s12], $0x4000  }
0xd3: {  	[sflag:s12] =	ssyncset.done $0x0  }
0xd4: {  	[sflag:s12] =	ssyncadd.s32 $0xFFFFC000  }
0xd5: {  	[tilespmem:s16], [sflag:$0x1] =	stream.indirect.gather [hbm4b:s1+s15], $0x80, s23, s15, $0xb8;
	[tilespmem:$0x18400] =	vst v63  }
0xd6: {  	_ =	swait.ge [sflag:s12], $0x4000  }
0xd7: {  	[sflag:s12] =	ssyncset.done $0x0  }
0xd8: {  	[sflag:s12] =	ssyncadd.s32 $0xFFFFC000  }
0xd9: {  	[spmem:s3] =	stream.indirect.scatter.add.f32 [tilespmem:s16], [sflag:$0x1], $0x80, s24, s15, $0xb8;
	[tilespmem:$0x18400] =	vst v63  }
0xda: {  	_ =	swait.ge [sflag:s12], $0x4000  }
0xdb: {  	[sflag:s12] =	ssyncset.done $0x0  }
0xdc: {  	[sflag:s12] =	ssyncadd.s32 $0xFFFFC000  }
0xdd: {  	[tilespmem:s16], [sflag:$0x1] =	stream.indirect.gather [hbm4b:s1+s15], $0x80, s25, s15, $0xb8;
	[tilespmem:$0x18400] =	vst v63  }
0xde: {  	_ =	swait.ge [sflag:s12], $0x4000  }
0xdf: {  	[sflag:s12] =	ssyncset.done $0x0  }
0xe0: {  	[sflag:s12] =	ssyncadd.s32 $0xFFFFC000  }
0xe1: {  	[spmem:s3] =	stream.indirect.scatter.add.f32 [tilespmem:s16], [sflag:$0x1], $0x80, s26, s15, $0xb8;
	[tilespmem:$0x18400] =	vst v63  }
0xe2: {  	_ =	swait.ge [sflag:s12], $0x4000  }
0xe3: {  	[sflag:s12] =	ssyncset.done $0x0  }
0xe4: {  	[sflag:s12] =	ssyncadd.s32 $0xFFFFC000  }
0xe5: {  	[tilespmem:s16], [sflag:$0x1] =	stream.indirect.gather [hbm4b:s1+s15], $0x80, s28, s15, $0xb8;
	[tilespmem:$0x18400] =	vst v63  }
0xe6: {  	_ =	swait.ge [sflag:s12], $0x4000  }
0xe7: {  	[sflag:s12] =	ssyncset.done $0x0  }
0xe8: {  	[sflag:s12] =	ssyncadd.s32 $0xFFFFC000  }
0xe9: {  	[spmem:s3] =	stream.indirect.scatter.add.f32 [tilespmem:s16], [sflag:$0x1], $0x80, s29, s15, $0xb8;
	[tilespmem:$0x18400] =	vst v63  }
0xea: {  	_ =	swait.ge [sflag:s12], $0x4000  }
0xeb: {  	[sflag:s12] =	ssyncset.done $0x0  }
0xec: {  	[sflag:s12] =	ssyncadd.s32 $0xFFFFC000  }
0xed: {  	[tilespmem:s16], [sflag:$0x1] =	stream.indirect.gather [hbm4b:s1+s15], $0x80, s30, s15, $0xb8;
	[tilespmem:$0x18400] =	vst v63  }
0xee: {  	_ =	swait.ge [sflag:s12], $0x4000  }
0xef: {  	[sflag:s12] =	ssyncset.done $0x0  }
0xf0: {  	[sflag:s12] =	ssyncadd.s32 $0xFFFFC000  }
0xf1: {  	[spmem:s3] =	stream.indirect.scatter.add.f32 [tilespmem:s16], [sflag:$0x1], $0x80, s31, s15, $0xb8;
	[tilespmem:$0x18400] =	vst v63  }
0xf2: {  	_ =	swait.ge [sflag:s12], $0x4000  }
0xf3: {  	[sflag:s12] =	ssyncset.done $0x0  }
0xf4: {  	[sflag:s12] =	ssyncadd.s32 $0xFFFFC000  }
0xf5: {  	[bflag:$0x0] =	sbarrier.arrive $0xFFFF  }
0xf6: {  	s8 =	rddreg [dreg:$0x5]  }
0xf7: {  	s5 =	rddreg [dreg:$0x7]  }
0xf8: {  	[hbm:s8], [sflag:s11] =	dma.local [spmem:s5], $0x2780  }
0xf9: {  	_ =	swait.ge [sflag:s12], $0x2780  }
0xfa: {  	s6 =	smov.u32 s11;
	s2 =	sadd.s32 $0x1, s2;
	s11 =	rddreg [dreg:$0x6]  }
0xfb: {  	p0 =	sne.s32 s2, s11  }
.Ltmp1:
0xfc: {  	_ = 	snop;
	(pc) =	sbr.rel @p0 .LBB2_1-.Ltmp1, $3  }
0xfd: {  	_ =	sdelay $0x1  }
0xfe: {  	[sflag:s12] =	ssyncset.done $0x0  }
0xff: {  	[sflag:s12] =	ssyncadd.s32 $0xFFFFD880  }
0x100: {  	_ =	sfence.sel $0x180000  }
0x101: {  	[bflag:$0x0] =	sbarrier.arrive $0xFFFF  }
0x102: {  	_ =	strace $0x9000004A  }
0x103: {  	s0 =	stileid.u32;
	[bflag:$0x2] =	sbarrier.arrive $0xFFFF  }
0x104: {  	p0 =	sne.s32 s0, $0x0;
	s0 =	rddreg [dreg:$0x3]  }
0x105: {  	s0 =	sadd.s32 @!p0 $0x100000, s0  }
0x106: {  	[sflag:s0] =	ssyncadd.tile.s32 @!p0 $0x1;
	_ =	shalt  }
.Lfunc_end2:
_tile_overlayer_lowered:
.L_overlay_start_2:
0x107: {  	(tag) =	ssettag $0x2  }
0x108: {  	s0 =	rddreg [dreg:$0x0];
	s2 =	stileid.u32  }
0x109: {  	s1 =	rddreg [dreg:$0x1];
	p0 =	sne.s32 s2, $0x0  }
0x10a: {  	s3 =	rddreg [dreg:$0x2];
	[bflag:$0x3] =	sbarrier.arrive $0xFFFF;
	s2 =	simm.s32 @!p0 $0x1C01  }
0x10b: {  	[timem:s3], [sflag:s2] =	dma.local @!p0 [hbm:s0], s1  }
0x10c: {  	s0 =	simm.s32 @!p0 $0x1  }
0x10d: {  	_ =	swait.ge @!p0 [sflag:s0], s1  }
0x10e: {  	s1 =	ssub.s32 @!p0 $0x0, s1;
	[sflag:s0] =	ssyncset.done @!p0 $0x0  }
0x10f: {  	[sflag:s0] =	ssyncadd.s32 @!p0 s1  }
0x110: {  	[bflag:$0x3] =	sbarrier.arrive $0xFFFF  }
0x111: {  	_ =	shalt  }

</sc_bundles>
